<compile_context>
chip_gen: v7x
topology: tpu7x:2x2x1
jax: 0.10.2.dev20260603
libtpu: 0.0.44.dev20260713+nightly
codegen_flags: <defaults>
</compile_context>

<pallas_src>
import functools

import jax
import jax.numpy as jnp
from jax import lax
from jax.experimental import pallas as pl
from jax.experimental.pallas import tpu as pltpu
from jax.experimental.pallas import tpu_sc as plsc

_B, _S, _H, _E, _K = 1, 2048, 1024, 16, 2
_CAP = 384
_TS = 256
_GRID = _S // _TS

_NC, _NS = 2, 16
_NW = _NC * _NS
_TPW = _S // _NW
_CHUNK = 16
_NCHUNK = _TPW // _CHUNK
_ROW = _E * _CAP
_BUF = _CHUNK * _ROW


def _mlp_body(x_ref, w1_ref, b1_ref, w2_ref, b2_ref,
              probs_ref, disp0_ref, comb0_ref, aux_ref, acc_ref):
    x = x_ref[...]
    h = jnp.dot(x, w1_ref[...], preferred_element_type=jnp.float32)
    h = jnp.maximum(h + b1_ref[...], 0.0)
    logits = jnp.dot(h, w2_ref[...], preferred_element_type=jnp.float32)
    logits = logits + b2_ref[...]

    m = jnp.max(logits, axis=1, keepdims=True)
    ex = jnp.exp(logits - m)
    p = ex / jnp.sum(ex, axis=1, keepdims=True)
    probs_ref[...] = p

    idx = lax.broadcasted_iota(jnp.int32, (_TS, _E), 1)
    m1 = jnp.max(p, axis=1, keepdims=True)
    i1 = jnp.min(jnp.where(p == m1, idx, _E), axis=1, keepdims=True)
    mask1 = idx == i1
    pm = jnp.where(mask1, -1.0, p)
    m2 = jnp.max(pm, axis=1, keepdims=True)
    i2 = jnp.min(jnp.where(pm == m2, idx, _E), axis=1, keepdims=True)
    mask2 = idx == i2
    denom = m1 + m2
    comb0_ref[...] = (jnp.where(mask1, m1, 0.0) + jnp.where(mask2, m2, 0.0)) / denom
    disp0_ref[...] = (mask1 | mask2).astype(jnp.float32)

    step = pl.program_id(0)
    psum = jnp.sum(p, axis=0, keepdims=True)

    @pl.when(step == 0)
    def _():
        acc_ref[...] = psum

    @pl.when(step != 0)
    def _():
        acc_ref[...] = acc_ref[...] + psum

    @pl.when(step == _GRID - 1)
    def _():
        rp = acc_ref[...] / (_B * _S)
        aux_ref[0, 0] = jnp.sum(rp * jnp.log(rp * _E + 1e-09))


_mlp_call = pl.pallas_call(
    _mlp_body,
    grid=(_GRID,),
    in_specs=[
        pl.BlockSpec((_TS, _H), lambda i: (i, 0)),
        pl.BlockSpec((_H, _H), lambda i: (0, 0)),
        pl.BlockSpec((1, _H), lambda i: (0, 0)),
        pl.BlockSpec((_H, _E), lambda i: (0, 0)),
        pl.BlockSpec((1, _E), lambda i: (0, 0)),
    ],
    out_specs=[
        pl.BlockSpec((_TS, _E), lambda i: (i, 0)),
        pl.BlockSpec((_TS, _E), lambda i: (i, 0)),
        pl.BlockSpec((_TS, _E), lambda i: (i, 0)),
        pl.BlockSpec((1, 1), lambda i: (0, 0), memory_space=pltpu.SMEM),
    ],
    out_shape=[
        jax.ShapeDtypeStruct((_S, _E), jnp.float32),
        jax.ShapeDtypeStruct((_S, _E), jnp.float32),
        jax.ShapeDtypeStruct((_S, _E), jnp.float32),
        jax.ShapeDtypeStruct((1, 1), jnp.float32),
    ],
    scratch_shapes=[pltpu.VMEM((1, _E), jnp.float32)],
)


def _disp_body(d0_ref, out_ref):
    cap0 = lax.broadcasted_iota(jnp.int32, (_TS, _E, _CAP), 2) == 0
    out_ref[...] = jnp.where(cap0, d0_ref[...][:, :, None], 0.0)


_disp_call = pl.pallas_call(
    _disp_body,
    grid=(_GRID,),
    in_specs=[pl.BlockSpec((_TS, _E), lambda i: (i, 0))],
    out_specs=[pl.BlockSpec((_TS, _E, _CAP), lambda i: (i, 0, 0))],
    out_shape=[jax.ShapeDtypeStruct((_S, _E, _CAP), jnp.float32)],
)


@functools.partial(
    pl.kernel,
    mesh=plsc.VectorSubcoreMesh(core_axis_name="c", subcore_axis_name="s"),
    out_type=jax.ShapeDtypeStruct((_S, _E, _CAP), jnp.float32),
    compiler_params=pltpu.CompilerParams(needs_layout_passes=False),
    scratch_types=[
        pltpu.VMEM((_CHUNK, _E, _CAP), jnp.float32),
        pltpu.VMEM((_TPW * _E,), jnp.float32),
    ],
)
def _sc_combine(comb0_hbm, zeros_hbm, out_hbm, buf_v, vals_v):
    wid = lax.axis_index("s") * _NC + lax.axis_index("c")
    base = wid * _TPW
    pltpu.sync_copy(comb0_hbm.at[pl.ds(base * _E, _TPW * _E)], vals_v)
    pltpu.sync_copy(zeros_hbm, buf_v)
    pos_e = lax.iota(jnp.int32, _E)
    pos_c = jnp.zeros((_E,), jnp.int32)
    for c in range(_NCHUNK):
        for t in range(_CHUNK):
            v = vals_v[pl.ds((c * _CHUNK + t) * _E, _E)]
            pos_t = jnp.full((_E,), t, jnp.int32)
            plsc.store_scatter(buf_v, [pos_t, pos_e, pos_c], v)
        pltpu.sync_copy(buf_v, out_hbm.at[pl.ds(base + c * _CHUNK, _CHUNK)])


def kernel(hidden_states, W1, b1, W2, b2):
    x = hidden_states.reshape(_S, _H)
    probs, disp0, comb0, aux = _mlp_call(
        x, W1, b1.reshape(1, _H), W2, b2.reshape(1, _E))
    combine = _sc_combine(comb0.reshape(_S * _E),
                          jnp.zeros((_CHUNK, _E, _CAP), jnp.float32))
    dispatch, = _disp_call(disp0)
    return (dispatch.reshape(_B, _S, _E, _CAP),
            combine.reshape(_B, _S, _E, _CAP),
            probs.reshape(_B, _S, _E),
            aux[0, 0])

# --- scband reference (transcript-rebuilt; emitter-appended) ---
"""Pipeline reference for scband-base-router-3435973837290 (READ-ONLY COPY).

The authoritative reference and input builder live on the scoring server;
editing this copy changes nothing except your own understanding.
"""

import jax, jax.numpy as jnp
import numpy as np

B, S, H, E, K = 1, 2048, 1024, 16, 2
CF = 1.5
CAP = int(B * S * CF * K / E)  # 384


def setup_inputs(seed: int = 0) -> dict:
    key = jax.random.key(seed)
    k1, k2, k3 = jax.random.split(key, 3)
    return {
        "hidden_states": jax.random.normal(k1, (B, S, H), dtype=jnp.float32),
        "W1": jax.random.normal(k2, (H, H), dtype=jnp.float32) * (1.0 / np.sqrt(H)),
        "b1": jnp.zeros((H,), dtype=jnp.float32),
        "W2": jax.random.normal(k3, (H, E), dtype=jnp.float32) * (1.0 / np.sqrt(H)),
        "b2": jnp.zeros((E,), dtype=jnp.float32),
    }


def reference(hidden_states, W1, b1, W2, b2):
    # router MLP: Linear -> ReLU -> Linear
    h = jax.nn.relu(hidden_states @ W1 + b1)
    router_logits = h @ W2 + b2  # [B, S, E]
    router_probs = jax.nn.softmax(router_logits, axis=-1)
    top_k_probs, top_k_indices = jax.lax.top_k(router_probs, K)
    top_k_probs = top_k_probs / jnp.sum(top_k_probs, axis=-1, keepdims=True)
    # torch loop writes only capacity slot 0 for each selected expert
    oh = jax.nn.one_hot(top_k_indices, E, dtype=jnp.float32)  # [B, S, K, E]
    disp0 = jnp.minimum(jnp.sum(oh, axis=2), 1.0)  # [B, S, E], set-to-1 semantics
    comb0 = jnp.sum(oh * top_k_probs[..., None], axis=2)  # [B, S, E]
    dispatch_tensor = jnp.zeros((B, S, E, CAP), dtype=jnp.float32).at[:, :, :, 0].set(disp0)
    combine_tensor = jnp.zeros((B, S, E, CAP), dtype=jnp.float32).at[:, :, :, 0].set(comb0)
    router_prob_per_expert = jnp.mean(router_probs, axis=(0, 1))
    aux_loss = jnp.sum(router_prob_per_expert * jnp.log(router_prob_per_expert * E + 1e-09))
    return (dispatch_tensor, combine_tensor, router_probs, aux_loss)

if __name__ == "__main__":
    import jax
    _d = setup_inputs()
    print(jax.jit(kernel)(*tuple(_d.values())))

</pallas_src>

<mosaic_0001>
#map = affine_map<(d0, d1) -> (0)>
#map1 = affine_map<(d0, d1) -> (0, 0, 0)>
module attributes {stable_mosaic.version = 14 : i64} {
  func.func @_sc_combine(%arg0: i32, %arg1: i32, %arg2: memref<32768xf32, #tpu.memory_space<hbm>>, %arg3: memref<16x16x384xf32, #tpu.memory_space<hbm>>, %arg4: memref<2048x16x384xf32, #tpu.memory_space<hbm>>, %arg5: memref<16x16x384xf32, #tpu.memory_space<vmem>>, %arg6: memref<1024xf32, #tpu.memory_space<vmem>>) attributes {dimension_semantics = [#tpu.dimension_semantics<core_parallel>, #tpu.dimension_semantics<subcore_parallel>], iteration_bounds = array<i64: 2, 16>, scalar_prefetch = 0 : i64, scratch_operands = 2 : i64, tpu.core_type = #tpu.core_type<sc_vector_subcore>, window_params = [{transform_indices = #map}, {transform_indices = #map1}, {transform_indices = #map1}]} {
    %mul3A = arith.constant 2 : i32
    %mul3A_0 = arith.muli %arg1, %mul3A : i32
    %add3A = arith.addi %mul3A_0, %arg0 : i32
    %mul3A_1 = arith.constant 64 : i32
    %mul3A_2 = arith.muli %add3A, %mul3A_1 : i32
    %mul3A_3 = arith.constant 16 : i32
    %mul3A_4 = arith.muli %mul3A_2, %mul3A_3 : i32
    "tpu.region"() ({
      %run_scoped3A = tpu.sem_alloc : memref<!tpu.dma_semaphore, #tpu.memory_space<semaphore_mem>>
      %dma_start3A = tpu.memref_slice %arg2[%mul3A_4] : memref<32768xf32, #tpu.memory_space<hbm>> -> memref<1024xf32, #tpu.memory_space<hbm>>
      %dma_start3A_269 = tpu.memref_slice %arg2[%mul3A_4] : memref<32768xf32, #tpu.memory_space<hbm>> -> memref<1024xf32, #tpu.memory_space<hbm>>
      tpu.enqueue_dma source(%dma_start3A_269 : memref<1024xf32, #tpu.memory_space<hbm>>) target(%arg6 : memref<1024xf32, #tpu.memory_space<vmem>>) target_semaphore(%run_scoped3A : memref<!tpu.dma_semaphore, #tpu.memory_space<semaphore_mem>>)
      %dma_wait3A = tpu.memref_slice %arg2[%mul3A_4] : memref<32768xf32, #tpu.memory_space<hbm>> -> memref<1024xf32, #tpu.memory_space<hbm>>
      %dma_wait3A_270 = tpu.memref_slice %arg2[%mul3A_4] : memref<32768xf32, #tpu.memory_space<hbm>> -> memref<1024xf32, #tpu.memory_space<hbm>>
      tpu.wait_dma2 semaphore(%run_scoped3A : memref<!tpu.dma_semaphore, #tpu.memory_space<semaphore_mem>>) src(%dma_wait3A_270 : memref<1024xf32, #tpu.memory_space<hbm>>) dst(%arg6 : memref<1024xf32, #tpu.memory_space<vmem>>)
      tpu.yield
    }) : () -> ()
    "tpu.region"() ({
      %run_scoped3A = tpu.sem_alloc : memref<!tpu.dma_semaphore, #tpu.memory_space<semaphore_mem>>
      tpu.enqueue_dma source(%arg3 : memref<16x16x384xf32, #tpu.memory_space<hbm>>) target(%arg5 : memref<16x16x384xf32, #tpu.memory_space<vmem>>) target_semaphore(%run_scoped3A : memref<!tpu.dma_semaphore, #tpu.memory_space<semaphore_mem>>)
      tpu.wait_dma2 semaphore(%run_scoped3A : memref<!tpu.dma_semaphore, #tpu.memory_space<semaphore_mem>>) src(%arg3 : memref<16x16x384xf32, #tpu.memory_space<hbm>>) dst(%arg5 : memref<16x16x384xf32, #tpu.memory_space<vmem>>)
      tpu.yield
    }) : () -> ()
    %iota3A = tpu.iota {dimensions = array<i32: 0>} : vector<16xi32>
    %broadcast_in_dim3A = arith.constant 0 : i32
    %broadcast_in_dim3A_5 = vector.broadcast %broadcast_in_dim3A : i32 to vector<16xi32>
    %get3A = arith.constant 0 : index
    %get3A_6 = tpu.vector_load %arg6[%get3A] {strides = array<i32>} : memref<1024xf32, #tpu.memory_space<vmem>>, vector<16xf32>,
    %broadcast_in_dim3A_7 = arith.constant 0 : i32
    %broadcast_in_dim3A_8 = vector.broadcast %broadcast_in_dim3A_7 : i32 to vector<16xi32>
    tpu.vector_store_idx %arg5[%broadcast_in_dim3A_8, %iota3A, %broadcast_in_dim3A_5], %get3A_6 : memref<16x16x384xf32, #tpu.memory_space<vmem>>[vector<16xi32>, vector<16xi32>, vector<16xi32>], vector<16xf32>,
    %get3A_9 = arith.constant 16 : index
    %get3A_10 = tpu.vector_load %arg6[%get3A_9] {strides = array<i32>} : memref<1024xf32, #tpu.memory_space<vmem>>, vector<16xf32>,
    %broadcast_in_dim3A_11 = arith.constant 1 : i32
    %broadcast_in_dim3A_12 = vector.broadcast %broadcast_in_dim3A_11 : i32 to vector<16xi32>
    tpu.vector_store_idx %arg5[%broadcast_in_dim3A_12, %iota3A, %broadcast_in_dim3A_5], %get3A_10 : memref<16x16x384xf32, #tpu.memory_space<vmem>>[vector<16xi32>, vector<16xi32>, vector<16xi32>], vector<16xf32>,
    %get3A_13 = arith.constant 32 : index
    %get3A_14 = tpu.vector_load %arg6[%get3A_13] {strides = array<i32>} : memref<1024xf32, #tpu.memory_space<vmem>>, vector<16xf32>,
    %broadcast_in_dim3A_15 = arith.constant 2 : i32
    %broadcast_in_dim3A_16 = vector.broadcast %broadcast_in_dim3A_15 : i32 to vector<16xi32>
    tpu.vector_store_idx %arg5[%broadcast_in_dim3A_16, %iota3A, %broadcast_in_dim3A_5], %get3A_14 : memref<16x16x384xf32, #tpu.memory_space<vmem>>[vector<16xi32>, vector<16xi32>, vector<16xi32>], vector<16xf32>,
    %get3A_17 = arith.constant 48 : index
    %get3A_18 = tpu.vector_load %arg6[%get3A_17] {strides = array<i32>} : memref<1024xf32, #tpu.memory_space<vmem>>, vector<16xf32>,
    %broadcast_in_dim3A_19 = arith.constant 3 : i32
    %broadcast_in_dim3A_20 = vector.broadcast %broadcast_in_dim3A_19 : i32 to vector<16xi32>
    tpu.vector_store_idx %arg5[%broadcast_in_dim3A_20, %iota3A, %broadcast_in_dim3A_5], %get3A_18 : memref<16x16x384xf32, #tpu.memory_space<vmem>>[vector<16xi32>, vector<16xi32>, vector<16xi32>], vector<16xf32>,
    %get3A_21 = arith.constant 64 : index
    %get3A_22 = tpu.vector_load %arg6[%get3A_21] {strides = array<i32>} : memref<1024xf32, #tpu.memory_space<vmem>>, vector<16xf32>,
    %broadcast_in_dim3A_23 = arith.constant 4 : i32
    %broadcast_in_dim3A_24 = vector.broadcast %broadcast_in_dim3A_23 : i32 to vector<16xi32>
    tpu.vector_store_idx %arg5[%broadcast_in_dim3A_24, %iota3A, %broadcast_in_dim3A_5], %get3A_22 : memref<16x16x384xf32, #tpu.memory_space<vmem>>[vector<16xi32>, vector<16xi32>, vector<16xi32>], vector<16xf32>,
    %get3A_25 = arith.constant 80 : index
    %get3A_26 = tpu.vector_load %arg6[%get3A_25] {strides = array<i32>} : memref<1024xf32, #tpu.memory_space<vmem>>, vector<16xf32>,
    %broadcast_in_dim3A_27 = arith.constant 5 : i32
    %broadcast_in_dim3A_28 = vector.broadcast %broadcast_in_dim3A_27 : i32 to vector<16xi32>
    tpu.vector_store_idx %arg5[%broadcast_in_dim3A_28, %iota3A, %broadcast_in_dim3A_5], %get3A_26 : memref<16x16x384xf32, #tpu.memory_space<vmem>>[vector<16xi32>, vector<16xi32>, vector<16xi32>], vector<16xf32>,
    %get3A_29 = arith.constant 96 : index
    %get3A_30 = tpu.vector_load %arg6[%get3A_29] {strides = array<i32>} : memref<1024xf32, #tpu.memory_space<vmem>>, vector<16xf32>,
    %broadcast_in_dim3A_31 = arith.constant 6 : i32
    %broadcast_in_dim3A_32 = vector.broadcast %broadcast_in_dim3A_31 : i32 to vector<16xi32>
    tpu.vector_store_idx %arg5[%broadcast_in_dim3A_32, %iota3A, %broadcast_in_dim3A_5], %get3A_30 : memref<16x16x384xf32, #tpu.memory_space<vmem>>[vector<16xi32>, vector<16xi32>, vector<16xi32>], vector<16xf32>,
    %get3A_33 = arith.constant 112 : index
    %get3A_34 = tpu.vector_load %arg6[%get3A_33] {strides = array<i32>} : memref<1024xf32, #tpu.memory_space<vmem>>, vector<16xf32>,
    %broadcast_in_dim3A_35 = arith.constant 7 : i32
    %broadcast_in_dim3A_36 = vector.broadcast %broadcast_in_dim3A_35 : i32 to vector<16xi32>
    tpu.vector_store_idx %arg5[%broadcast_in_dim3A_36, %iota3A, %broadcast_in_dim3A_5], %get3A_34 : memref<16x16x384xf32, #tpu.memory_space<vmem>>[vector<16xi32>, vector<16xi32>, vector<16xi32>], vector<16xf32>,
    %get3A_37 = arith.constant 128 : index
    %get3A_38 = tpu.vector_load %arg6[%get3A_37] {strides = array<i32>} : memref<1024xf32, #tpu.memory_space<vmem>>, vector<16xf32>,
    %broadcast_in_dim3A_39 = arith.constant 8 : i32
    %broadcast_in_dim3A_40 = vector.broadcast %broadcast_in_dim3A_39 : i32 to vector<16xi32>
    tpu.vector_store_idx %arg5[%broadcast_in_dim3A_40, %iota3A, %broadcast_in_dim3A_5], %get3A_38 : memref<16x16x384xf32, #tpu.memory_space<vmem>>[vector<16xi32>, vector<16xi32>, vector<16xi32>], vector<16xf32>,
    %get3A_41 = arith.constant 144 : index
    %get3A_42 = tpu.vector_load %arg6[%get3A_41] {strides = array<i32>} : memref<1024xf32, #tpu.memory_space<vmem>>, vector<16xf32>,
    %broadcast_in_dim3A_43 = arith.constant 9 : i32
    %broadcast_in_dim3A_44 = vector.broadcast %broadcast_in_dim3A_43 : i32 to vector<16xi32>
    tpu.vector_store_idx %arg5[%broadcast_in_dim3A_44, %iota3A, %broadcast_in_dim3A_5], %get3A_42 : memref<16x16x384xf32, #tpu.memory_space<vmem>>[vector<16xi32>, vector<16xi32>, vector<16xi32>], vector<16xf32>,
    %get3A_45 = arith.constant 160 : index
    %get3A_46 = tpu.vector_load %arg6[%get3A_45] {strides = array<i32>} : memref<1024xf32, #tpu.memory_space<vmem>>, vector<16xf32>,
    %broadcast_in_dim3A_47 = arith.constant 10 : i32
    %broadcast_in_dim3A_48 = vector.broadcast %broadcast_in_dim3A_47 : i32 to vector<16xi32>
    tpu.vector_store_idx %arg5[%broadcast_in_dim3A_48, %iota3A, %broadcast_in_dim3A_5], %get3A_46 : memref<16x16x384xf32, #tpu.memory_space<vmem>>[vector<16xi32>, vector<16xi32>, vector<16xi32>], vector<16xf32>,
    %get3A_49 = arith.constant 176 : index
    %get3A_50 = tpu.vector_load %arg6[%get3A_49] {strides = array<i32>} : memref<1024xf32, #tpu.memory_space<vmem>>, vector<16xf32>,
    %broadcast_in_dim3A_51 = arith.constant 11 : i32
    %broadcast_in_dim3A_52 = vector.broadcast %broadcast_in_dim3A_51 : i32 to vector<16xi32>
    tpu.vector_store_idx %arg5[%broadcast_in_dim3A_52, %iota3A, %broadcast_in_dim3A_5], %get3A_50 : memref<16x16x384xf32, #tpu.memory_space<vmem>>[vector<16xi32>, vector<16xi32>, vector<16xi32>], vector<16xf32>,
    %get3A_53 = arith.constant 192 : index
    %get3A_54 = tpu.vector_load %arg6[%get3A_53] {strides = array<i32>} : memref<1024xf32, #tpu.memory_space<vmem>>, vector<16xf32>,
    %broadcast_in_dim3A_55 = arith.constant 12 : i32
    %broadcast_in_dim3A_56 = vector.broadcast %broadcast_in_dim3A_55 : i32 to vector<16xi32>
    tpu.vector_store_idx %arg5[%broadcast_in_dim3A_56, %iota3A, %broadcast_in_dim3A_5], %get3A_54 : memref<16x16x384xf32, #tpu.memory_space<vmem>>[vector<16xi32>, vector<16xi32>, vector<16xi32>], vector<16xf32>,
    %get3A_57 = arith.constant 208 : index
    %get3A_58 = tpu.vector_load %arg6[%get3A_57] {strides = array<i32>} : memref<1024xf32, #tpu.memory_space<vmem>>, vector<16xf32>,
    %broadcast_in_dim3A_59 = arith.constant 13 : i32
    %broadcast_in_dim3A_60 = vector.broadcast %broadcast_in_dim3A_59 : i32 to vector<16xi32>
    tpu.vector_store_idx %arg5[%broadcast_in_dim3A_60, %iota3A, %broadcast_in_dim3A_5], %get3A_58 : memref<16x16x384xf32, #tpu.memory_space<vmem>>[vector<16xi32>, vector<16xi32>, vector<16xi32>], vector<16xf32>,
    %get3A_61 = arith.constant 224 : index
    %get3A_62 = tpu.vector_load %arg6[%get3A_61] {strides = array<i32>} : memref<1024xf32, #tpu.memory_space<vmem>>, vector<16xf32>,
    %broadcast_in_dim3A_63 = arith.constant 14 : i32
    %broadcast_in_dim3A_64 = vector.broadcast %broadcast_in_dim3A_63 : i32 to vector<16xi32>
    tpu.vector_store_idx %arg5[%broadcast_in_dim3A_64, %iota3A, %broadcast_in_dim3A_5], %get3A_62 : memref<16x16x384xf32, #tpu.memory_space<vmem>>[vector<16xi32>, vector<16xi32>, vector<16xi32>], vector<16xf32>,
    %get3A_65 = arith.constant 240 : index
    %get3A_66 = tpu.vector_load %arg6[%get3A_65] {strides = array<i32>} : memref<1024xf32, #tpu.memory_space<vmem>>, vector<16xf32>,
    %broadcast_in_dim3A_67 = arith.constant 15 : i32
    %broadcast_in_dim3A_68 = vector.broadcast %broadcast_in_dim3A_67 : i32 to vector<16xi32>
    tpu.vector_store_idx %arg5[%broadcast_in_dim3A_68, %iota3A, %broadcast_in_dim3A_5], %get3A_66 : memref<16x16x384xf32, #tpu.memory_space<vmem>>[vector<16xi32>, vector<16xi32>, vector<16xi32>], vector<16xf32>,
    %add3A_69 = arith.constant 0 : i32
    %add3A_70 = arith.addi %mul3A_2, %add3A_69 : i32
    "tpu.region"() ({
      %run_scoped3A = tpu.sem_alloc : memref<!tpu.dma_semaphore, #tpu.memory_space<semaphore_mem>>
      %dma_start3A = arith.constant 0 : i32
      %dma_start3A_269 = arith.constant 0 : i32
      %dma_start3A_270 = tpu.memref_slice %arg4[%add3A_70, %dma_start3A, %dma_start3A_269] : memref<2048x16x384xf32, #tpu.memory_space<hbm>> -> memref<16x16x384xf32, #tpu.memory_space<hbm>>
      %dma_start3A_271 = arith.constant 0 : i32
      %dma_start3A_272 = arith.constant 0 : i32
      %dma_start3A_273 = tpu.memref_slice %arg4[%add3A_70, %dma_start3A_271, %dma_start3A_272] : memref<2048x16x384xf32, #tpu.memory_space<hbm>> -> memref<16x16x384xf32, #tpu.memory_space<hbm>>
      tpu.enqueue_dma source(%arg5 : memref<16x16x384xf32, #tpu.memory_space<vmem>>) target(%dma_start3A_273 : memref<16x16x384xf32, #tpu.memory_space<hbm>>) target_semaphore(%run_scoped3A : memref<!tpu.dma_semaphore, #tpu.memory_space<semaphore_mem>>)
      %dma_wait3A = arith.constant 0 : i32
      %dma_wait3A_274 = arith.constant 0 : i32
      %dma_wait3A_275 = tpu.memref_slice %arg4[%add3A_70, %dma_wait3A, %dma_wait3A_274] : memref<2048x16x384xf32, #tpu.memory_space<hbm>> -> memref<16x16x384xf32, #tpu.memory_space<hbm>>
      %dma_wait3A_276 = arith.constant 0 : i32
      %dma_wait3A_277 = arith.constant 0 : i32
      %dma_wait3A_278 = tpu.memref_slice %arg4[%add3A_70, %dma_wait3A_276, %dma_wait3A_277] : memref<2048x16x384xf32, #tpu.memory_space<hbm>> -> memref<16x16x384xf32, #tpu.memory_space<hbm>>
      tpu.wait_dma2 semaphore(%run_scoped3A : memref<!tpu.dma_semaphore, #tpu.memory_space<semaphore_mem>>) src(%arg5 : memref<16x16x384xf32, #tpu.memory_space<vmem>>) dst(%dma_wait3A_278 : memref<16x16x384xf32, #tpu.memory_space<hbm>>)
      tpu.yield
    }) : () -> ()
    %get3A_71 = arith.constant 256 : index
    %get3A_72 = tpu.vector_load %arg6[%get3A_71] {strides = array<i32>} : memref<1024xf32, #tpu.memory_space<vmem>>, vector<16xf32>,
    %broadcast_in_dim3A_73 = arith.constant 0 : i32
    %broadcast_in_dim3A_74 = vector.broadcast %broadcast_in_dim3A_73 : i32 to vector<16xi32>
    tpu.vector_store_idx %arg5[%broadcast_in_dim3A_74, %iota3A, %broadcast_in_dim3A_5], %get3A_72 : memref<16x16x384xf32, #tpu.memory_space<vmem>>[vector<16xi32>, vector<16xi32>, vector<16xi32>], vector<16xf32>,
    %get3A_75 = arith.constant 272 : index
    %get3A_76 = tpu.vector_load %arg6[%get3A_75] {strides = array<i32>} : memref<1024xf32, #tpu.memory_space<vmem>>, vector<16xf32>,
    %broadcast_in_dim3A_77 = arith.constant 1 : i32
    %broadcast_in_dim3A_78 = vector.broadcast %broadcast_in_dim3A_77 : i32 to vector<16xi32>
    tpu.vector_store_idx %arg5[%broadcast_in_dim3A_78, %iota3A, %broadcast_in_dim3A_5], %get3A_76 : memref<16x16x384xf32, #tpu.memory_space<vmem>>[vector<16xi32>, vector<16xi32>, vector<16xi32>], vector<16xf32>,
    %get3A_79 = arith.constant 288 : index
    %get3A_80 = tpu.vector_load %arg6[%get3A_79] {strides = array<i32>} : memref<1024xf32, #tpu.memory_space<vmem>>, vector<16xf32>,
    %broadcast_in_dim3A_81 = arith.constant 2 : i32
    %broadcast_in_dim3A_82 = vector.broadcast %broadcast_in_dim3A_81 : i32 to vector<16xi32>
    tpu.vector_store_idx %arg5[%broadcast_in_dim3A_82, %iota3A, %broadcast_in_dim3A_5], %get3A_80 : memref<16x16x384xf32, #tpu.memory_space<vmem>>[vector<16xi32>, vector<16xi32>, vector<16xi32>], vector<16xf32>,
    %get3A_83 = arith.constant 304 : index
    %get3A_84 = tpu.vector_load %arg6[%get3A_83] {strides = array<i32>} : memref<1024xf32, #tpu.memory_space<vmem>>, vector<16xf32>,
    %broadcast_in_dim3A_85 = arith.constant 3 : i32
    %broadcast_in_dim3A_86 = vector.broadcast %broadcast_in_dim3A_85 : i32 to vector<16xi32>
    tpu.vector_store_idx %arg5[%broadcast_in_dim3A_86, %iota3A, %broadcast_in_dim3A_5], %get3A_84 : memref<16x16x384xf32, #tpu.memory_space<vmem>>[vector<16xi32>, vector<16xi32>, vector<16xi32>], vector<16xf32>,
    %get3A_87 = arith.constant 320 : index
    %get3A_88 = tpu.vector_load %arg6[%get3A_87] {strides = array<i32>} : memref<1024xf32, #tpu.memory_space<vmem>>, vector<16xf32>,
    %broadcast_in_dim3A_89 = arith.constant 4 : i32
    %broadcast_in_dim3A_90 = vector.broadcast %broadcast_in_dim3A_89 : i32 to vector<16xi32>
    tpu.vector_store_idx %arg5[%broadcast_in_dim3A_90, %iota3A, %broadcast_in_dim3A_5], %get3A_88 : memref<16x16x384xf32, #tpu.memory_space<vmem>>[vector<16xi32>, vector<16xi32>, vector<16xi32>], vector<16xf32>,
    %get3A_91 = arith.constant 336 : index
    %get3A_92 = tpu.vector_load %arg6[%get3A_91] {strides = array<i32>} : memref<1024xf32, #tpu.memory_space<vmem>>, vector<16xf32>,
    %broadcast_in_dim3A_93 = arith.constant 5 : i32
    %broadcast_in_dim3A_94 = vector.broadcast %broadcast_in_dim3A_93 : i32 to vector<16xi32>
    tpu.vector_store_idx %arg5[%broadcast_in_dim3A_94, %iota3A, %broadcast_in_dim3A_5], %get3A_92 : memref<16x16x384xf32, #tpu.memory_space<vmem>>[vector<16xi32>, vector<16xi32>, vector<16xi32>], vector<16xf32>,
    %get3A_95 = arith.constant 352 : index
    %get3A_96 = tpu.vector_load %arg6[%get3A_95] {strides = array<i32>} : memref<1024xf32, #tpu.memory_space<vmem>>, vector<16xf32>,
    %broadcast_in_dim3A_97 = arith.constant 6 : i32
    %broadcast_in_dim3A_98 = vector.broadcast %broadcast_in_dim3A_97 : i32 to vector<16xi32>
    tpu.vector_store_idx %arg5[%broadcast_in_dim3A_98, %iota3A, %broadcast_in_dim3A_5], %get3A_96 : memref<16x16x384xf32, #tpu.memory_space<vmem>>[vector<16xi32>, vector<16xi32>, vector<16xi32>], vector<16xf32>,
    %get3A_99 = arith.constant 368 : index
    %get3A_100 = tpu.vector_load %arg6[%get3A_99] {strides = array<i32>} : memref<1024xf32, #tpu.memory_space<vmem>>, vector<16xf32>,
    %broadcast_in_dim3A_101 = arith.constant 7 : i32
    %broadcast_in_dim3A_102 = vector.broadcast %broadcast_in_dim3A_101 : i32 to vector<16xi32>
    tpu.vector_store_idx %arg5[%broadcast_in_dim3A_102, %iota3A, %broadcast_in_dim3A_5], %get3A_100 : memref<16x16x384xf32, #tpu.memory_space<vmem>>[vector<16xi32>, vector<16xi32>, vector<16xi32>], vector<16xf32>,
    %get3A_103 = arith.constant 384 : index
    %get3A_104 = tpu.vector_load %arg6[%get3A_103] {strides = array<i32>} : memref<1024xf32, #tpu.memory_space<vmem>>, vector<16xf32>,
    %broadcast_in_dim3A_105 = arith.constant 8 : i32
    %broadcast_in_dim3A_106 = vector.broadcast %broadcast_in_dim3A_105 : i32 to vector<16xi32>
    tpu.vector_store_idx %arg5[%broadcast_in_dim3A_106, %iota3A, %broadcast_in_dim3A_5], %get3A_104 : memref<16x16x384xf32, #tpu.memory_space<vmem>>[vector<16xi32>, vector<16xi32>, vector<16xi32>], vector<16xf32>,
    %get3A_107 = arith.constant 400 : index
    %get3A_108 = tpu.vector_load %arg6[%get3A_107] {strides = array<i32>} : memref<1024xf32, #tpu.memory_space<vmem>>, vector<16xf32>,
    %broadcast_in_dim3A_109 = arith.constant 9 : i32
    %broadcast_in_dim3A_110 = vector.broadcast %broadcast_in_dim3A_109 : i32 to vector<16xi32>
    tpu.vector_store_idx %arg5[%broadcast_in_dim3A_110, %iota3A, %broadcast_in_dim3A_5], %get3A_108 : memref<16x16x384xf32, #tpu.memory_space<vmem>>[vector<16xi32>, vector<16xi32>, vector<16xi32>], vector<16xf32>,
    %get3A_111 = arith.constant 416 : index
    %get3A_112 = tpu.vector_load %arg6[%get3A_111] {strides = array<i32>} : memref<1024xf32, #tpu.memory_space<vmem>>, vector<16xf32>,
    %broadcast_in_dim3A_113 = arith.constant 10 : i32
    %broadcast_in_dim3A_114 = vector.broadcast %broadcast_in_dim3A_113 : i32 to vector<16xi32>
    tpu.vector_store_idx %arg5[%broadcast_in_dim3A_114, %iota3A, %broadcast_in_dim3A_5], %get3A_112 : memref<16x16x384xf32, #tpu.memory_space<vmem>>[vector<16xi32>, vector<16xi32>, vector<16xi32>], vector<16xf32>,
    %get3A_115 = arith.constant 432 : index
    %get3A_116 = tpu.vector_load %arg6[%get3A_115] {strides = array<i32>} : memref<1024xf32, #tpu.memory_space<vmem>>, vector<16xf32>,
    %broadcast_in_dim3A_117 = arith.constant 11 : i32
    %broadcast_in_dim3A_118 = vector.broadcast %broadcast_in_dim3A_117 : i32 to vector<16xi32>
    tpu.vector_store_idx %arg5[%broadcast_in_dim3A_118, %iota3A, %broadcast_in_dim3A_5], %get3A_116 : memref<16x16x384xf32, #tpu.memory_space<vmem>>[vector<16xi32>, vector<16xi32>, vector<16xi32>], vector<16xf32>,
    %get3A_119 = arith.constant 448 : index
    %get3A_120 = tpu.vector_load %arg6[%get3A_119] {strides = array<i32>} : memref<1024xf32, #tpu.memory_space<vmem>>, vector<16xf32>,
    %broadcast_in_dim3A_121 = arith.constant 12 : i32
    %broadcast_in_dim3A_122 = vector.broadcast %broadcast_in_dim3A_121 : i32 to vector<16xi32>
    tpu.vector_store_idx %arg5[%broadcast_in_dim3A_122, %iota3A, %broadcast_in_dim3A_5], %get3A_120 : memref<16x16x384xf32, #tpu.memory_space<vmem>>[vector<16xi32>, vector<16xi32>, vector<16xi32>], vector<16xf32>,
    %get3A_123 = arith.constant 464 : index
    %get3A_124 = tpu.vector_load %arg6[%get3A_123] {strides = array<i32>} : memref<1024xf32, #tpu.memory_space<vmem>>, vector<16xf32>,
    %broadcast_in_dim3A_125 = arith.constant 13 : i32
    %broadcast_in_dim3A_126 = vector.broadcast %broadcast_in_dim3A_125 : i32 to vector<16xi32>
    tpu.vector_store_idx %arg5[%broadcast_in_dim3A_126, %iota3A, %broadcast_in_dim3A_5], %get3A_124 : memref<16x16x384xf32, #tpu.memory_space<vmem>>[vector<16xi32>, vector<16xi32>, vector<16xi32>], vector<16xf32>,
    %get3A_127 = arith.constant 480 : index
    %get3A_128 = tpu.vector_load %arg6[%get3A_127] {strides = array<i32>} : memref<1024xf32, #tpu.memory_space<vmem>>, vector<16xf32>,
    %broadcast_in_dim3A_129 = arith.constant 14 : i32
    %broadcast_in_dim3A_130 = vector.broadcast %broadcast_in_dim3A_129 : i32 to vector<16xi32>
    tpu.vector_store_idx %arg5[%broadcast_in_dim3A_130, %iota3A, %broadcast_in_dim3A_5], %get3A_128 : memref<16x16x384xf32, #tpu.memory_space<vmem>>[vector<16xi32>, vector<16xi32>, vector<16xi32>], vector<16xf32>,
    %get3A_131 = arith.constant 496 : index
    %get3A_132 = tpu.vector_load %arg6[%get3A_131] {strides = array<i32>} : memref<1024xf32, #tpu.memory_space<vmem>>, vector<16xf32>,
    %broadcast_in_dim3A_133 = arith.constant 15 : i32
    %broadcast_in_dim3A_134 = vector.broadcast %broadcast_in_dim3A_133 : i32 to vector<16xi32>
    tpu.vector_store_idx %arg5[%broadcast_in_dim3A_134, %iota3A, %broadcast_in_dim3A_5], %get3A_132 : memref<16x16x384xf32, #tpu.memory_space<vmem>>[vector<16xi32>, vector<16xi32>, vector<16xi32>], vector<16xf32>,
    %add3A_135 = arith.constant 16 : i32
    %add3A_136 = arith.addi %mul3A_2, %add3A_135 : i32
    "tpu.region"() ({
      %run_scoped3A = tpu.sem_alloc : memref<!tpu.dma_semaphore, #tpu.memory_space<semaphore_mem>>
      %dma_start3A = arith.constant 0 : i32
      %dma_start3A_269 = arith.constant 0 : i32
      %dma_start3A_270 = tpu.memref_slice %arg4[%add3A_136, %dma_start3A, %dma_start3A_269] : memref<2048x16x384xf32, #tpu.memory_space<hbm>> -> memref<16x16x384xf32, #tpu.memory_space<hbm>>
      %dma_start3A_271 = arith.constant 0 : i32
      %dma_start3A_272 = arith.constant 0 : i32
      %dma_start3A_273 = tpu.memref_slice %arg4[%add3A_136, %dma_start3A_271, %dma_start3A_272] : memref<2048x16x384xf32, #tpu.memory_space<hbm>> -> memref<16x16x384xf32, #tpu.memory_space<hbm>>
      tpu.enqueue_dma source(%arg5 : memref<16x16x384xf32, #tpu.memory_space<vmem>>) target(%dma_start3A_273 : memref<16x16x384xf32, #tpu.memory_space<hbm>>) target_semaphore(%run_scoped3A : memref<!tpu.dma_semaphore, #tpu.memory_space<semaphore_mem>>)
      %dma_wait3A = arith.constant 0 : i32
      %dma_wait3A_274 = arith.constant 0 : i32
      %dma_wait3A_275 = tpu.memref_slice %arg4[%add3A_136, %dma_wait3A, %dma_wait3A_274] : memref<2048x16x384xf32, #tpu.memory_space<hbm>> -> memref<16x16x384xf32, #tpu.memory_space<hbm>>
      %dma_wait3A_276 = arith.constant 0 : i32
      %dma_wait3A_277 = arith.constant 0 : i32
      %dma_wait3A_278 = tpu.memref_slice %arg4[%add3A_136, %dma_wait3A_276, %dma_wait3A_277] : memref<2048x16x384xf32, #tpu.memory_space<hbm>> -> memref<16x16x384xf32, #tpu.memory_space<hbm>>
      tpu.wait_dma2 semaphore(%run_scoped3A : memref<!tpu.dma_semaphore, #tpu.memory_space<semaphore_mem>>) src(%arg5 : memref<16x16x384xf32, #tpu.memory_space<vmem>>) dst(%dma_wait3A_278 : memref<16x16x384xf32, #tpu.memory_space<hbm>>)
      tpu.yield
    }) : () -> ()
    %get3A_137 = arith.constant 512 : index
    %get3A_138 = tpu.vector_load %arg6[%get3A_137] {strides = array<i32>} : memref<1024xf32, #tpu.memory_space<vmem>>, vector<16xf32>,
    %broadcast_in_dim3A_139 = arith.constant 0 : i32
    %broadcast_in_dim3A_140 = vector.broadcast %broadcast_in_dim3A_139 : i32 to vector<16xi32>
    tpu.vector_store_idx %arg5[%broadcast_in_dim3A_140, %iota3A, %broadcast_in_dim3A_5], %get3A_138 : memref<16x16x384xf32, #tpu.memory_space<vmem>>[vector<16xi32>, vector<16xi32>, vector<16xi32>], vector<16xf32>,
    %get3A_141 = arith.constant 528 : index
    %get3A_142 = tpu.vector_load %arg6[%get3A_141] {strides = array<i32>} : memref<1024xf32, #tpu.memory_space<vmem>>, vector<16xf32>,
    %broadcast_in_dim3A_143 = arith.constant 1 : i32
    %broadcast_in_dim3A_144 = vector.broadcast %broadcast_in_dim3A_143 : i32 to vector<16xi32>
    tpu.vector_store_idx %arg5[%broadcast_in_dim3A_144, %iota3A, %broadcast_in_dim3A_5], %get3A_142 : memref<16x16x384xf32, #tpu.memory_space<vmem>>[vector<16xi32>, vector<16xi32>, vector<16xi32>], vector<16xf32>,
    %get3A_145 = arith.constant 544 : index
    %get3A_146 = tpu.vector_load %arg6[%get3A_145] {strides = array<i32>} : memref<1024xf32, #tpu.memory_space<vmem>>, vector<16xf32>,
    %broadcast_in_dim3A_147 = arith.constant 2 : i32
    %broadcast_in_dim3A_148 = vector.broadcast %broadcast_in_dim3A_147 : i32 to vector<16xi32>
    tpu.vector_store_idx %arg5[%broadcast_in_dim3A_148, %iota3A, %broadcast_in_dim3A_5], %get3A_146 : memref<16x16x384xf32, #tpu.memory_space<vmem>>[vector<16xi32>, vector<16xi32>, vector<16xi32>], vector<16xf32>,
    %get3A_149 = arith.constant 560 : index
    %get3A_150 = tpu.vector_load %arg6[%get3A_149] {strides = array<i32>} : memref<1024xf32, #tpu.memory_space<vmem>>, vector<16xf32>,
    %broadcast_in_dim3A_151 = arith.constant 3 : i32
    %broadcast_in_dim3A_152 = vector.broadcast %broadcast_in_dim3A_151 : i32 to vector<16xi32>
    tpu.vector_store_idx %arg5[%broadcast_in_dim3A_152, %iota3A, %broadcast_in_dim3A_5], %get3A_150 : memref<16x16x384xf32, #tpu.memory_space<vmem>>[vector<16xi32>, vector<16xi32>, vector<16xi32>], vector<16xf32>,
    %get3A_153 = arith.constant 576 : index
    %get3A_154 = tpu.vector_load %arg6[%get3A_153] {strides = array<i32>} : memref<1024xf32, #tpu.memory_space<vmem>>, vector<16xf32>,
    %broadcast_in_dim3A_155 = arith.constant 4 : i32
    %broadcast_in_dim3A_156 = vector.broadcast %broadcast_in_dim3A_155 : i32 to vector<16xi32>
    tpu.vector_store_idx %arg5[%broadcast_in_dim3A_156, %iota3A, %broadcast_in_dim3A_5], %get3A_154 : memref<16x16x384xf32, #tpu.memory_space<vmem>>[vector<16xi32>, vector<16xi32>, vector<16xi32>], vector<16xf32>,
    %get3A_157 = arith.constant 592 : index
    %get3A_158 = tpu.vector_load %arg6[%get3A_157] {strides = array<i32>} : memref<1024xf32, #tpu.memory_space<vmem>>, vector<16xf32>,
    %broadcast_in_dim3A_159 = arith.constant 5 : i32
    %broadcast_in_dim3A_160 = vector.broadcast %broadcast_in_dim3A_159 : i32 to vector<16xi32>
    tpu.vector_store_idx %arg5[%broadcast_in_dim3A_160, %iota3A, %broadcast_in_dim3A_5], %get3A_158 : memref<16x16x384xf32, #tpu.memory_space<vmem>>[vector<16xi32>, vector<16xi32>, vector<16xi32>], vector<16xf32>,
    %get3A_161 = arith.constant 608 : index
    %get3A_162 = tpu.vector_load %arg6[%get3A_161] {strides = array<i32>} : memref<1024xf32, #tpu.memory_space<vmem>>, vector<16xf32>,
    %broadcast_in_dim3A_163 = arith.constant 6 : i32
    %broadcast_in_dim3A_164 = vector.broadcast %broadcast_in_dim3A_163 : i32 to vector<16xi32>
    tpu.vector_store_idx %arg5[%broadcast_in_dim3A_164, %iota3A, %broadcast_in_dim3A_5], %get3A_162 : memref<16x16x384xf32, #tpu.memory_space<vmem>>[vector<16xi32>, vector<16xi32>, vector<16xi32>], vector<16xf32>,
    %get3A_165 = arith.constant 624 : index
    %get3A_166 = tpu.vector_load %arg6[%get3A_165] {strides = array<i32>} : memref<1024xf32, #tpu.memory_space<vmem>>, vector<16xf32>,
    %broadcast_in_dim3A_167 = arith.constant 7 : i32
    %broadcast_in_dim3A_168 = vector.broadcast %broadcast_in_dim3A_167 : i32 to vector<16xi32>
    tpu.vector_store_idx %arg5[%broadcast_in_dim3A_168, %iota3A, %broadcast_in_dim3A_5], %get3A_166 : memref<16x16x384xf32, #tpu.memory_space<vmem>>[vector<16xi32>, vector<16xi32>, vector<16xi32>], vector<16xf32>,
    %get3A_169 = arith.constant 640 : index
    %get3A_170 = tpu.vector_load %arg6[%get3A_169] {strides = array<i32>} : memref<1024xf32, #tpu.memory_space<vmem>>, vector<16xf32>,
    %broadcast_in_dim3A_171 = arith.constant 8 : i32
    %broadcast_in_dim3A_172 = vector.broadcast %broadcast_in_dim3A_171 : i32 to vector<16xi32>
    tpu.vector_store_idx %arg5[%broadcast_in_dim3A_172, %iota3A, %broadcast_in_dim3A_5], %get3A_170 : memref<16x16x384xf32, #tpu.memory_space<vmem>>[vector<16xi32>, vector<16xi32>, vector<16xi32>], vector<16xf32>,
    %get3A_173 = arith.constant 656 : index
    %get3A_174 = tpu.vector_load %arg6[%get3A_173] {strides = array<i32>} : memref<1024xf32, #tpu.memory_space<vmem>>, vector<16xf32>,
    %broadcast_in_dim3A_175 = arith.constant 9 : i32
    %broadcast_in_dim3A_176 = vector.broadcast %broadcast_in_dim3A_175 : i32 to vector<16xi32>
    tpu.vector_store_idx %arg5[%broadcast_in_dim3A_176, %iota3A, %broadcast_in_dim3A_5], %get3A_174 : memref<16x16x384xf32, #tpu.memory_space<vmem>>[vector<16xi32>, vector<16xi32>, vector<16xi32>], vector<16xf32>,
    %get3A_177 = arith.constant 672 : index
    %get3A_178 = tpu.vector_load %arg6[%get3A_177] {strides = array<i32>} : memref<1024xf32, #tpu.memory_space<vmem>>, vector<16xf32>,
    %broadcast_in_dim3A_179 = arith.constant 10 : i32
    %broadcast_in_dim3A_180 = vector.broadcast %broadcast_in_dim3A_179 : i32 to vector<16xi32>
    tpu.vector_store_idx %arg5[%broadcast_in_dim3A_180, %iota3A, %broadcast_in_dim3A_5], %get3A_178 : memref<16x16x384xf32, #tpu.memory_space<vmem>>[vector<16xi32>, vector<16xi32>, vector<16xi32>], vector<16xf32>,
    %get3A_181 = arith.constant 688 : index
    %get3A_182 = tpu.vector_load %arg6[%get3A_181] {strides = array<i32>} : memref<1024xf32, #tpu.memory_space<vmem>>, vector<16xf32>,
    %broadcast_in_dim3A_183 = arith.constant 11 : i32
    %broadcast_in_dim3A_184 = vector.broadcast %broadcast_in_dim3A_183 : i32 to vector<16xi32>
    tpu.vector_store_idx %arg5[%broadcast_in_dim3A_184, %iota3A, %broadcast_in_dim3A_5], %get3A_182 : memref<16x16x384xf32, #tpu.memory_space<vmem>>[vector<16xi32>, vector<16xi32>, vector<16xi32>], vector<16xf32>,
    %get3A_185 = arith.constant 704 : index
    %get3A_186 = tpu.vector_load %arg6[%get3A_185] {strides = array<i32>} : memref<1024xf32, #tpu.memory_space<vmem>>, vector<16xf32>,
    %broadcast_in_dim3A_187 = arith.constant 12 : i32
    %broadcast_in_dim3A_188 = vector.broadcast %broadcast_in_dim3A_187 : i32 to vector<16xi32>
    tpu.vector_store_idx %arg5[%broadcast_in_dim3A_188, %iota3A, %broadcast_in_dim3A_5], %get3A_186 : memref<16x16x384xf32, #tpu.memory_space<vmem>>[vector<16xi32>, vector<16xi32>, vector<16xi32>], vector<16xf32>,
    %get3A_189 = arith.constant 720 : index
    %get3A_190 = tpu.vector_load %arg6[%get3A_189] {strides = array<i32>} : memref<1024xf32, #tpu.memory_space<vmem>>, vector<16xf32>,
    %broadcast_in_dim3A_191 = arith.constant 13 : i32
    %broadcast_in_dim3A_192 = vector.broadcast %broadcast_in_dim3A_191 : i32 to vector<16xi32>
    tpu.vector_store_idx %arg5[%broadcast_in_dim3A_192, %iota3A, %broadcast_in_dim3A_5], %get3A_190 : memref<16x16x384xf32, #tpu.memory_space<vmem>>[vector<16xi32>, vector<16xi32>, vector<16xi32>], vector<16xf32>,
    %get3A_193 = arith.constant 736 : index
    %get3A_194 = tpu.vector_load %arg6[%get3A_193] {strides = array<i32>} : memref<1024xf32, #tpu.memory_space<vmem>>, vector<16xf32>,
    %broadcast_in_dim3A_195 = arith.constant 14 : i32
    %broadcast_in_dim3A_196 = vector.broadcast %broadcast_in_dim3A_195 : i32 to vector<16xi32>
    tpu.vector_store_idx %arg5[%broadcast_in_dim3A_196, %iota3A, %broadcast_in_dim3A_5], %get3A_194 : memref<16x16x384xf32, #tpu.memory_space<vmem>>[vector<16xi32>, vector<16xi32>, vector<16xi32>], vector<16xf32>,
    %get3A_197 = arith.constant 752 : index
    %get3A_198 = tpu.vector_load %arg6[%get3A_197] {strides = array<i32>} : memref<1024xf32, #tpu.memory_space<vmem>>, vector<16xf32>,
    %broadcast_in_dim3A_199 = arith.constant 15 : i32
    %broadcast_in_dim3A_200 = vector.broadcast %broadcast_in_dim3A_199 : i32 to vector<16xi32>
    tpu.vector_store_idx %arg5[%broadcast_in_dim3A_200, %iota3A, %broadcast_in_dim3A_5], %get3A_198 : memref<16x16x384xf32, #tpu.memory_space<vmem>>[vector<16xi32>, vector<16xi32>, vector<16xi32>], vector<16xf32>,
    %add3A_201 = arith.constant 32 : i32
    %add3A_202 = arith.addi %mul3A_2, %add3A_201 : i32
    "tpu.region"() ({
      %run_scoped3A = tpu.sem_alloc : memref<!tpu.dma_semaphore, #tpu.memory_space<semaphore_mem>>
      %dma_start3A = arith.constant 0 : i32
      %dma_start3A_269 = arith.constant 0 : i32
      %dma_start3A_270 = tpu.memref_slice %arg4[%add3A_202, %dma_start3A, %dma_start3A_269] : memref<2048x16x384xf32, #tpu.memory_space<hbm>> -> memref<16x16x384xf32, #tpu.memory_space<hbm>>
      %dma_start3A_271 = arith.constant 0 : i32
      %dma_start3A_272 = arith.constant 0 : i32
      %dma_start3A_273 = tpu.memref_slice %arg4[%add3A_202, %dma_start3A_271, %dma_start3A_272] : memref<2048x16x384xf32, #tpu.memory_space<hbm>> -> memref<16x16x384xf32, #tpu.memory_space<hbm>>
      tpu.enqueue_dma source(%arg5 : memref<16x16x384xf32, #tpu.memory_space<vmem>>) target(%dma_start3A_273 : memref<16x16x384xf32, #tpu.memory_space<hbm>>) target_semaphore(%run_scoped3A : memref<!tpu.dma_semaphore, #tpu.memory_space<semaphore_mem>>)
      %dma_wait3A = arith.constant 0 : i32
      %dma_wait3A_274 = arith.constant 0 : i32
      %dma_wait3A_275 = tpu.memref_slice %arg4[%add3A_202, %dma_wait3A, %dma_wait3A_274] : memref<2048x16x384xf32, #tpu.memory_space<hbm>> -> memref<16x16x384xf32, #tpu.memory_space<hbm>>
      %dma_wait3A_276 = arith.constant 0 : i32
      %dma_wait3A_277 = arith.constant 0 : i32
      %dma_wait3A_278 = tpu.memref_slice %arg4[%add3A_202, %dma_wait3A_276, %dma_wait3A_277] : memref<2048x16x384xf32, #tpu.memory_space<hbm>> -> memref<16x16x384xf32, #tpu.memory_space<hbm>>
      tpu.wait_dma2 semaphore(%run_scoped3A : memref<!tpu.dma_semaphore, #tpu.memory_space<semaphore_mem>>) src(%arg5 : memref<16x16x384xf32, #tpu.memory_space<vmem>>) dst(%dma_wait3A_278 : memref<16x16x384xf32, #tpu.memory_space<hbm>>)
      tpu.yield
    }) : () -> ()
    %get3A_203 = arith.constant 768 : index
    %get3A_204 = tpu.vector_load %arg6[%get3A_203] {strides = array<i32>} : memref<1024xf32, #tpu.memory_space<vmem>>, vector<16xf32>,
    %broadcast_in_dim3A_205 = arith.constant 0 : i32
    %broadcast_in_dim3A_206 = vector.broadcast %broadcast_in_dim3A_205 : i32 to vector<16xi32>
    tpu.vector_store_idx %arg5[%broadcast_in_dim3A_206, %iota3A, %broadcast_in_dim3A_5], %get3A_204 : memref<16x16x384xf32, #tpu.memory_space<vmem>>[vector<16xi32>, vector<16xi32>, vector<16xi32>], vector<16xf32>,
    %get3A_207 = arith.constant 784 : index
    %get3A_208 = tpu.vector_load %arg6[%get3A_207] {strides = array<i32>} : memref<1024xf32, #tpu.memory_space<vmem>>, vector<16xf32>,
    %broadcast_in_dim3A_209 = arith.constant 1 : i32
    %broadcast_in_dim3A_210 = vector.broadcast %broadcast_in_dim3A_209 : i32 to vector<16xi32>
    tpu.vector_store_idx %arg5[%broadcast_in_dim3A_210, %iota3A, %broadcast_in_dim3A_5], %get3A_208 : memref<16x16x384xf32, #tpu.memory_space<vmem>>[vector<16xi32>, vector<16xi32>, vector<16xi32>], vector<16xf32>,
    %get3A_211 = arith.constant 800 : index
    %get3A_212 = tpu.vector_load %arg6[%get3A_211] {strides = array<i32>} : memref<1024xf32, #tpu.memory_space<vmem>>, vector<16xf32>,
    %broadcast_in_dim3A_213 = arith.constant 2 : i32
    %broadcast_in_dim3A_214 = vector.broadcast %broadcast_in_dim3A_213 : i32 to vector<16xi32>
    tpu.vector_store_idx %arg5[%broadcast_in_dim3A_214, %iota3A, %broadcast_in_dim3A_5], %get3A_212 : memref<16x16x384xf32, #tpu.memory_space<vmem>>[vector<16xi32>, vector<16xi32>, vector<16xi32>], vector<16xf32>,
    %get3A_215 = arith.constant 816 : index
    %get3A_216 = tpu.vector_load %arg6[%get3A_215] {strides = array<i32>} : memref<1024xf32, #tpu.memory_space<vmem>>, vector<16xf32>,
    %broadcast_in_dim3A_217 = arith.constant 3 : i32
    %broadcast_in_dim3A_218 = vector.broadcast %broadcast_in_dim3A_217 : i32 to vector<16xi32>
    tpu.vector_store_idx %arg5[%broadcast_in_dim3A_218, %iota3A, %broadcast_in_dim3A_5], %get3A_216 : memref<16x16x384xf32, #tpu.memory_space<vmem>>[vector<16xi32>, vector<16xi32>, vector<16xi32>], vector<16xf32>,
    %get3A_219 = arith.constant 832 : index
    %get3A_220 = tpu.vector_load %arg6[%get3A_219] {strides = array<i32>} : memref<1024xf32, #tpu.memory_space<vmem>>, vector<16xf32>,
    %broadcast_in_dim3A_221 = arith.constant 4 : i32
    %broadcast_in_dim3A_222 = vector.broadcast %broadcast_in_dim3A_221 : i32 to vector<16xi32>
    tpu.vector_store_idx %arg5[%broadcast_in_dim3A_222, %iota3A, %broadcast_in_dim3A_5], %get3A_220 : memref<16x16x384xf32, #tpu.memory_space<vmem>>[vector<16xi32>, vector<16xi32>, vector<16xi32>], vector<16xf32>,
    %get3A_223 = arith.constant 848 : index
    %get3A_224 = tpu.vector_load %arg6[%get3A_223] {strides = array<i32>} : memref<1024xf32, #tpu.memory_space<vmem>>, vector<16xf32>,
    %broadcast_in_dim3A_225 = arith.constant 5 : i32
    %broadcast_in_dim3A_226 = vector.broadcast %broadcast_in_dim3A_225 : i32 to vector<16xi32>
    tpu.vector_store_idx %arg5[%broadcast_in_dim3A_226, %iota3A, %broadcast_in_dim3A_5], %get3A_224 : memref<16x16x384xf32, #tpu.memory_space<vmem>>[vector<16xi32>, vector<16xi32>, vector<16xi32>], vector<16xf32>,
    %get3A_227 = arith.constant 864 : index
    %get3A_228 = tpu.vector_load %arg6[%get3A_227] {strides = array<i32>} : memref<1024xf32, #tpu.memory_space<vmem>>, vector<16xf32>,
    %broadcast_in_dim3A_229 = arith.constant 6 : i32
    %broadcast_in_dim3A_230 = vector.broadcast %broadcast_in_dim3A_229 : i32 to vector<16xi32>
    tpu.vector_store_idx %arg5[%broadcast_in_dim3A_230, %iota3A, %broadcast_in_dim3A_5], %get3A_228 : memref<16x16x384xf32, #tpu.memory_space<vmem>>[vector<16xi32>, vector<16xi32>, vector<16xi32>], vector<16xf32>,
    %get3A_231 = arith.constant 880 : index
    %get3A_232 = tpu.vector_load %arg6[%get3A_231] {strides = array<i32>} : memref<1024xf32, #tpu.memory_space<vmem>>, vector<16xf32>,
    %broadcast_in_dim3A_233 = arith.constant 7 : i32
    %broadcast_in_dim3A_234 = vector.broadcast %broadcast_in_dim3A_233 : i32 to vector<16xi32>
    tpu.vector_store_idx %arg5[%broadcast_in_dim3A_234, %iota3A, %broadcast_in_dim3A_5], %get3A_232 : memref<16x16x384xf32, #tpu.memory_space<vmem>>[vector<16xi32>, vector<16xi32>, vector<16xi32>], vector<16xf32>,
    %get3A_235 = arith.constant 896 : index
    %get3A_236 = tpu.vector_load %arg6[%get3A_235] {strides = array<i32>} : memref<1024xf32, #tpu.memory_space<vmem>>, vector<16xf32>,
    %broadcast_in_dim3A_237 = arith.constant 8 : i32
    %broadcast_in_dim3A_238 = vector.broadcast %broadcast_in_dim3A_237 : i32 to vector<16xi32>
    tpu.vector_store_idx %arg5[%broadcast_in_dim3A_238, %iota3A, %broadcast_in_dim3A_5], %get3A_236 : memref<16x16x384xf32, #tpu.memory_space<vmem>>[vector<16xi32>, vector<16xi32>, vector<16xi32>], vector<16xf32>,
    %get3A_239 = arith.constant 912 : index
    %get3A_240 = tpu.vector_load %arg6[%get3A_239] {strides = array<i32>} : memref<1024xf32, #tpu.memory_space<vmem>>, vector<16xf32>,
    %broadcast_in_dim3A_241 = arith.constant 9 : i32
    %broadcast_in_dim3A_242 = vector.broadcast %broadcast_in_dim3A_241 : i32 to vector<16xi32>
    tpu.vector_store_idx %arg5[%broadcast_in_dim3A_242, %iota3A, %broadcast_in_dim3A_5], %get3A_240 : memref<16x16x384xf32, #tpu.memory_space<vmem>>[vector<16xi32>, vector<16xi32>, vector<16xi32>], vector<16xf32>,
    %get3A_243 = arith.constant 928 : index
    %get3A_244 = tpu.vector_load %arg6[%get3A_243] {strides = array<i32>} : memref<1024xf32, #tpu.memory_space<vmem>>, vector<16xf32>,
    %broadcast_in_dim3A_245 = arith.constant 10 : i32
    %broadcast_in_dim3A_246 = vector.broadcast %broadcast_in_dim3A_245 : i32 to vector<16xi32>
    tpu.vector_store_idx %arg5[%broadcast_in_dim3A_246, %iota3A, %broadcast_in_dim3A_5], %get3A_244 : memref<16x16x384xf32, #tpu.memory_space<vmem>>[vector<16xi32>, vector<16xi32>, vector<16xi32>], vector<16xf32>,
    %get3A_247 = arith.constant 944 : index
    %get3A_248 = tpu.vector_load %arg6[%get3A_247] {strides = array<i32>} : memref<1024xf32, #tpu.memory_space<vmem>>, vector<16xf32>,
    %broadcast_in_dim3A_249 = arith.constant 11 : i32
    %broadcast_in_dim3A_250 = vector.broadcast %broadcast_in_dim3A_249 : i32 to vector<16xi32>
    tpu.vector_store_idx %arg5[%broadcast_in_dim3A_250, %iota3A, %broadcast_in_dim3A_5], %get3A_248 : memref<16x16x384xf32, #tpu.memory_space<vmem>>[vector<16xi32>, vector<16xi32>, vector<16xi32>], vector<16xf32>,
    %get3A_251 = arith.constant 960 : index
    %get3A_252 = tpu.vector_load %arg6[%get3A_251] {strides = array<i32>} : memref<1024xf32, #tpu.memory_space<vmem>>, vector<16xf32>,
    %broadcast_in_dim3A_253 = arith.constant 12 : i32
    %broadcast_in_dim3A_254 = vector.broadcast %broadcast_in_dim3A_253 : i32 to vector<16xi32>
    tpu.vector_store_idx %arg5[%broadcast_in_dim3A_254, %iota3A, %broadcast_in_dim3A_5], %get3A_252 : memref<16x16x384xf32, #tpu.memory_space<vmem>>[vector<16xi32>, vector<16xi32>, vector<16xi32>], vector<16xf32>,
    %get3A_255 = arith.constant 976 : index
    %get3A_256 = tpu.vector_load %arg6[%get3A_255] {strides = array<i32>} : memref<1024xf32, #tpu.memory_space<vmem>>, vector<16xf32>,
    %broadcast_in_dim3A_257 = arith.constant 13 : i32
    %broadcast_in_dim3A_258 = vector.broadcast %broadcast_in_dim3A_257 : i32 to vector<16xi32>
    tpu.vector_store_idx %arg5[%broadcast_in_dim3A_258, %iota3A, %broadcast_in_dim3A_5], %get3A_256 : memref<16x16x384xf32, #tpu.memory_space<vmem>>[vector<16xi32>, vector<16xi32>, vector<16xi32>], vector<16xf32>,
    %get3A_259 = arith.constant 992 : index
    %get3A_260 = tpu.vector_load %arg6[%get3A_259] {strides = array<i32>} : memref<1024xf32, #tpu.memory_space<vmem>>, vector<16xf32>,
    %broadcast_in_dim3A_261 = arith.constant 14 : i32
    %broadcast_in_dim3A_262 = vector.broadcast %broadcast_in_dim3A_261 : i32 to vector<16xi32>
    tpu.vector_store_idx %arg5[%broadcast_in_dim3A_262, %iota3A, %broadcast_in_dim3A_5], %get3A_260 : memref<16x16x384xf32, #tpu.memory_space<vmem>>[vector<16xi32>, vector<16xi32>, vector<16xi32>], vector<16xf32>,
    %get3A_263 = arith.constant 1008 : index
    %get3A_264 = tpu.vector_load %arg6[%get3A_263] {strides = array<i32>} : memref<1024xf32, #tpu.memory_space<vmem>>, vector<16xf32>,
    %broadcast_in_dim3A_265 = arith.constant 15 : i32
    %broadcast_in_dim3A_266 = vector.broadcast %broadcast_in_dim3A_265 : i32 to vector<16xi32>
    tpu.vector_store_idx %arg5[%broadcast_in_dim3A_266, %iota3A, %broadcast_in_dim3A_5], %get3A_264 : memref<16x16x384xf32, #tpu.memory_space<vmem>>[vector<16xi32>, vector<16xi32>, vector<16xi32>], vector<16xf32>,
    %add3A_267 = arith.constant 48 : i32
    %add3A_268 = arith.addi %mul3A_2, %add3A_267 : i32
    "tpu.region"() ({
      %run_scoped3A = tpu.sem_alloc : memref<!tpu.dma_semaphore, #tpu.memory_space<semaphore_mem>>
      %dma_start3A = arith.constant 0 : i32
      %dma_start3A_269 = arith.constant 0 : i32
      %dma_start3A_270 = tpu.memref_slice %arg4[%add3A_268, %dma_start3A, %dma_start3A_269] : memref<2048x16x384xf32, #tpu.memory_space<hbm>> -> memref<16x16x384xf32, #tpu.memory_space<hbm>>
      %dma_start3A_271 = arith.constant 0 : i32
      %dma_start3A_272 = arith.constant 0 : i32
      %dma_start3A_273 = tpu.memref_slice %arg4[%add3A_268, %dma_start3A_271, %dma_start3A_272] : memref<2048x16x384xf32, #tpu.memory_space<hbm>> -> memref<16x16x384xf32, #tpu.memory_space<hbm>>
      tpu.enqueue_dma source(%arg5 : memref<16x16x384xf32, #tpu.memory_space<vmem>>) target(%dma_start3A_273 : memref<16x16x384xf32, #tpu.memory_space<hbm>>) target_semaphore(%run_scoped3A : memref<!tpu.dma_semaphore, #tpu.memory_space<semaphore_mem>>)
      %dma_wait3A = arith.constant 0 : i32
      %dma_wait3A_274 = arith.constant 0 : i32
      %dma_wait3A_275 = tpu.memref_slice %arg4[%add3A_268, %dma_wait3A, %dma_wait3A_274] : memref<2048x16x384xf32, #tpu.memory_space<hbm>> -> memref<16x16x384xf32, #tpu.memory_space<hbm>>
      %dma_wait3A_276 = arith.constant 0 : i32
      %dma_wait3A_277 = arith.constant 0 : i32
      %dma_wait3A_278 = tpu.memref_slice %arg4[%add3A_268, %dma_wait3A_276, %dma_wait3A_277] : memref<2048x16x384xf32, #tpu.memory_space<hbm>> -> memref<16x16x384xf32, #tpu.memory_space<hbm>>
      tpu.wait_dma2 semaphore(%run_scoped3A : memref<!tpu.dma_semaphore, #tpu.memory_space<semaphore_mem>>) src(%arg5 : memref<16x16x384xf32, #tpu.memory_space<vmem>>) dst(%dma_wait3A_278 : memref<16x16x384xf32, #tpu.memory_space<hbm>>)
      tpu.yield
    }) : () -> ()
    return
  }
}

module attributes {stable_mosaic.version = 14 : i64} {
  func.func @_mlp_body(%arg0: i32, %arg1: memref<256x1024xf32, #tpu.memory_space<vmem>>, %arg2: memref<1024x1024xf32, #tpu.memory_space<vmem>>, %arg3: memref<1x1024xf32, #tpu.memory_space<vmem>>, %arg4: memref<1024x16xf32, #tpu.memory_space<vmem>>, %arg5: memref<1x16xf32, #tpu.memory_space<vmem>>, %arg6: memref<256x16xf32, #tpu.memory_space<vmem>>, %arg7: memref<256x16xf32, #tpu.memory_space<vmem>>, %arg8: memref<256x16xf32, #tpu.memory_space<vmem>>, %arg9: memref<1x1xf32, #tpu.memory_space<smem>>, %arg10: memref<1x16xf32, #tpu.memory_space<vmem>>) attributes {dimension_semantics = [#tpu.dimension_semantics<arbitrary>], iteration_bounds = array<i64: 8>, scalar_prefetch = 0 : i64, scratch_operands = 1 : i64, tpu.core_type = #tpu.core_type<tc>, window_params = [{transform_indices = @transform_0, window_bounds = array<i64: 256, 1024>}, {pipeline_mode = #tpu.pipeline_mode<synchronous>, transform_indices = @transform_1, window_bounds = array<i64: 1024, 1024>}, {pipeline_mode = #tpu.pipeline_mode<synchronous>, transform_indices = @transform_2, window_bounds = array<i64: 1, 1024>}, {pipeline_mode = #tpu.pipeline_mode<synchronous>, transform_indices = @transform_3, window_bounds = array<i64: 1024, 16>}, {pipeline_mode = #tpu.pipeline_mode<synchronous>, transform_indices = @transform_4, window_bounds = array<i64: 1, 16>}, {transform_indices = @transform_5, window_bounds = array<i64: 256, 16>}, {transform_indices = @transform_6, window_bounds = array<i64: 256, 16>}, {transform_indices = @transform_7, window_bounds = array<i64: 256, 16>}, {transform_indices = @transform_8, window_bounds = array<i64: 1, 1>}]} {
    %get3A = arith.constant 0 : index
    %get3A_0 = arith.constant 0 : index
    %get3A_1 = vector.load %arg1[%get3A, %get3A_0] : memref<256x1024xf32, #tpu.memory_space<vmem>>, vector<256x1024xf32>
    %get3A_2 = arith.constant 0 : index
    %get3A_3 = arith.constant 0 : index
    %get3A_4 = vector.load %arg2[%get3A_2, %get3A_3] : memref<1024x1024xf32, #tpu.memory_space<vmem>>, vector<1024x1024xf32>
    %dot_general3A = arith.constant dense<0.000000e+00> : vector<256x1024xf32>
    %dot_general3A_5 = tpu.matmul %get3A_1, %get3A_4, %dot_general3A {dimension_numbers = #tpu.dot_dimension_numbers<[1], [0], [0], [1], [0, 0, 1, 1], [], []>, transpose_lhs_hint = false} : vector<256x1024xf32>, vector<1024x1024xf32>, vector<256x1024xf32> -> vector<256x1024xf32>
    %get3A_6 = arith.constant 0 : index
    %get3A_7 = arith.constant 0 : index
    %get3A_8 = vector.load %arg3[%get3A_6, %get3A_7] : memref<1x1024xf32, #tpu.memory_space<vmem>>, vector<1x1024xf32>
    %add3A = vector.broadcast %get3A_8 : vector<1x1024xf32> to vector<256x1024xf32>
    %add3A_9 = arith.addf %dot_general3A_5, %add3A : vector<256x1024xf32>
    %max3A = arith.constant 0.000000e+00 : f32
    %max3A_10 = vector.broadcast %max3A : f32 to vector<256x1024xf32>
    %max3A_11 = arith.maximumf %add3A_9, %max3A_10 : vector<256x1024xf32>
    %get3A_12 = arith.constant 0 : index
    %get3A_13 = arith.constant 0 : index
    %get3A_14 = vector.load %arg4[%get3A_12, %get3A_13] : memref<1024x16xf32, #tpu.memory_space<vmem>>, vector<1024x16xf32>
    %dot_general3A_15 = arith.constant dense<0.000000e+00> : vector<256x16xf32>
    %dot_general3A_16 = tpu.matmul %max3A_11, %get3A_14, %dot_general3A_15 {dimension_numbers = #tpu.dot_dimension_numbers<[1], [0], [0], [1], [0, 0, 1, 1], [], []>, transpose_lhs_hint = false} : vector<256x1024xf32>, vector<1024x16xf32>, vector<256x16xf32> -> vector<256x16xf32>
    %get3A_17 = arith.constant 0 : index
    %get3A_18 = arith.constant 0 : index
    %get3A_19 = vector.load %arg5[%get3A_17, %get3A_18] : memref<1x16xf32, #tpu.memory_space<vmem>>, vector<1x16xf32>
    %add3A_20 = vector.broadcast %get3A_19 : vector<1x16xf32> to vector<256x16xf32>
    %add3A_21 = arith.addf %dot_general3A_16, %add3A_20 : vector<256x16xf32>
    %reduce_max3A = arith.constant dense<0xFF800000> : vector<256xf32>
    %reduce_max3A_22 = vector.multi_reduction <maximumf>, %add3A_21, %reduce_max3A [1] : vector<256x16xf32> to vector<256xf32>
    %broadcast_in_dim3A = vector.shape_cast %reduce_max3A_22 : vector<256xf32> to vector<256x1xf32>
    %sub3A = vector.broadcast %broadcast_in_dim3A : vector<256x1xf32> to vector<256x16xf32>
    %sub3A_23 = arith.subf %add3A_21, %sub3A : vector<256x16xf32>
    %exp3A = math.exp %sub3A_23 : vector<256x16xf32>
    %reduce_sum3A = arith.constant dense<0.000000e+00> : vector<256xf32>
    %reduce_sum3A_24 = vector.multi_reduction <add>, %exp3A, %reduce_sum3A [1] : vector<256x16xf32> to vector<256xf32>
    %broadcast_in_dim3A_25 = vector.shape_cast %reduce_sum3A_24 : vector<256xf32> to vector<256x1xf32>
    %div3A = vector.broadcast %broadcast_in_dim3A_25 : vector<256x1xf32> to vector<256x16xf32>
    %div3A_26 = arith.divf %exp3A, %div3A : vector<256x16xf32>
    %swap3A = arith.constant 0 : index
    %swap3A_27 = arith.constant 0 : index
    %swap3A_28 = vector.load %arg6[%swap3A, %swap3A_27] : memref<256x16xf32, #tpu.memory_space<vmem>>, vector<256x16xf32>
    tpu.vector_store %arg6[%swap3A, %swap3A_27], %div3A_26 {strides = array<i32>} : memref<256x16xf32, #tpu.memory_space<vmem>>, vector<256x16xf32>,
    %iota3A = tpu.iota {dimensions = array<i32: 1>} : vector<256x16xi32>
    %reduce_max3A_29 = arith.constant dense<0xFF800000> : vector<256xf32>
    %reduce_max3A_30 = vector.multi_reduction <maximumf>, %div3A_26, %reduce_max3A_29 [1] : vector<256x16xf32> to vector<256xf32>
    %broadcast_in_dim3A_31 = vector.shape_cast %reduce_max3A_30 : vector<256xf32> to vector<256x1xf32>
    %eq3A = vector.broadcast %broadcast_in_dim3A_31 : vector<256x1xf32> to vector<256x16xf32>
    %eq3A_32 = arith.cmpf oeq, %div3A_26, %eq3A : vector<256x16xf32>
    %jit3A = arith.constant 16 : i32
    %broadcast_in_dim3A_33 = vector.broadcast %jit3A : i32 to vector<256x16xi32>
    %select_n3A = arith.select %eq3A_32, %iota3A, %broadcast_in_dim3A_33 : vector<256x16xi1>, vector<256x16xi32>
    %reduce_min3A = arith.constant dense<2147483647> : vector<256xi32>
    %reduce_min3A_34 = vector.multi_reduction <minsi>, %select_n3A, %reduce_min3A [1] : vector<256x16xi32> to vector<256xi32>
    %broadcast_in_dim3A_35 = vector.shape_cast %reduce_min3A_34 : vector<256xi32> to vector<256x1xi32>
    %eq3A_36 = vector.broadcast %broadcast_in_dim3A_35 : vector<256x1xi32> to vector<256x16xi32>
    %eq3A_37 = arith.cmpi eq, %iota3A, %eq3A_36 : vector<256x16xi32>
    %jit3A_38 = arith.constant -1.000000e+00 : f32
    %broadcast_in_dim3A_39 = vector.broadcast %jit3A_38 : f32 to vector<256x16xf32>
    %select_n3A_40 = arith.select %eq3A_37, %broadcast_in_dim3A_39, %div3A_26 : vector<256x16xi1>, vector<256x16xf32>
    %reduce_max3A_41 = arith.constant dense<0xFF800000> : vector<256xf32>
    %reduce_max3A_42 = vector.multi_reduction <maximumf>, %select_n3A_40, %reduce_max3A_41 [1] : vector<256x16xf32> to vector<256xf32>
    %broadcast_in_dim3A_43 = vector.shape_cast %reduce_max3A_42 : vector<256xf32> to vector<256x1xf32>
    %eq3A_44 = vector.broadcast %broadcast_in_dim3A_43 : vector<256x1xf32> to vector<256x16xf32>
    %eq3A_45 = arith.cmpf oeq, %select_n3A_40, %eq3A_44 : vector<256x16xf32>
    %jit3A_46 = arith.constant 16 : i32
    %broadcast_in_dim3A_47 = vector.broadcast %jit3A_46 : i32 to vector<256x16xi32>
    %select_n3A_48 = arith.select %eq3A_45, %iota3A, %broadcast_in_dim3A_47 : vector<256x16xi1>, vector<256x16xi32>
    %reduce_min3A_49 = arith.constant dense<2147483647> : vector<256xi32>
    %reduce_min3A_50 = vector.multi_reduction <minsi>, %select_n3A_48, %reduce_min3A_49 [1] : vector<256x16xi32> to vector<256xi32>
    %broadcast_in_dim3A_51 = vector.shape_cast %reduce_min3A_50 : vector<256xi32> to vector<256x1xi32>
    %eq3A_52 = vector.broadcast %broadcast_in_dim3A_51 : vector<256x1xi32> to vector<256x16xi32>
    %eq3A_53 = arith.cmpi eq, %iota3A, %eq3A_52 : vector<256x16xi32>
    %add3A_54 = arith.addf %broadcast_in_dim3A_31, %broadcast_in_dim3A_43 : vector<256x1xf32>
    %jit3A_55 = arith.constant 0.000000e+00 : f32
    %broadcast_in_dim3A_56 = vector.shape_cast %broadcast_in_dim3A_31 : vector<256x1xf32> to vector<256x1xf32>
    %broadcast_in_dim3A_57 = vector.broadcast %broadcast_in_dim3A_56 : vector<256x1xf32> to vector<256x16xf32>
    %broadcast_in_dim3A_58 = vector.broadcast %jit3A_55 : f32 to vector<256x16xf32>
    %select_n3A_59 = arith.select %eq3A_37, %broadcast_in_dim3A_57, %broadcast_in_dim3A_58 : vector<256x16xi1>, vector<256x16xf32>
    %jit3A_60 = arith.constant 0.000000e+00 : f32
    %broadcast_in_dim3A_61 = vector.shape_cast %broadcast_in_dim3A_43 : vector<256x1xf32> to vector<256x1xf32>
    %broadcast_in_dim3A_62 = vector.broadcast %broadcast_in_dim3A_61 : vector<256x1xf32> to vector<256x16xf32>
    %broadcast_in_dim3A_63 = vector.broadcast %jit3A_60 : f32 to vector<256x16xf32>
    %select_n3A_64 = arith.select %eq3A_53, %broadcast_in_dim3A_62, %broadcast_in_dim3A_63 : vector<256x16xi1>, vector<256x16xf32>
    %add3A_65 = arith.addf %select_n3A_59, %select_n3A_64 : vector<256x16xf32>
    %div3A_66 = vector.broadcast %add3A_54 : vector<256x1xf32> to vector<256x16xf32>
    %div3A_67 = arith.divf %add3A_65, %div3A_66 : vector<256x16xf32>
    %swap3A_68 = arith.constant 0 : index
    %swap3A_69 = arith.constant 0 : index
    %swap3A_70 = vector.load %arg8[%swap3A_68, %swap3A_69] : memref<256x16xf32, #tpu.memory_space<vmem>>, vector<256x16xf32>
    tpu.vector_store %arg8[%swap3A_68, %swap3A_69], %div3A_67 {strides = array<i32>} : memref<256x16xf32, #tpu.memory_space<vmem>>, vector<256x16xf32>,
    %or3A = arith.ori %eq3A_37, %eq3A_53 : vector<256x16xi1>
    %convert_element_type3A = arith.extui %or3A : vector<256x16xi1> to vector<256x16xi32>
    %convert_element_type3A_71 = arith.sitofp %convert_element_type3A : vector<256x16xi32> to vector<256x16xf32>
    %swap3A_72 = arith.constant 0 : index
    %swap3A_73 = arith.constant 0 : index
    %swap3A_74 = vector.load %arg7[%swap3A_72, %swap3A_73] : memref<256x16xf32, #tpu.memory_space<vmem>>, vector<256x16xf32>
    tpu.vector_store %arg7[%swap3A_72, %swap3A_73], %convert_element_type3A_71 {strides = array<i32>} : memref<256x16xf32, #tpu.memory_space<vmem>>, vector<256x16xf32>,
    %reduce_sum3A_75 = arith.constant dense<0.000000e+00> : vector<16xf32>
    %reduce_sum3A_76 = vector.multi_reduction <add>, %div3A_26, %reduce_sum3A_75 [0] : vector<256x16xf32> to vector<16xf32>
    %broadcast_in_dim3A_77 = vector.shape_cast %reduce_sum3A_76 : vector<16xf32> to vector<1x16xf32>
    %eq3A_78 = arith.constant 0 : i32
    %eq3A_79 = arith.cmpi eq, %arg0, %eq3A_78 : i32
    %convert_element_type3A_80 = arith.extui %eq3A_79 : i1 to i32
    %cond3A = arith.constant 0 : i32
    %cond3A_81 = arith.cmpi ne, %convert_element_type3A_80, %cond3A : i32
    scf.if %cond3A_81 {
      %swap3A_91 = arith.constant 0 : index
      %swap3A_92 = arith.constant 0 : index
      %swap3A_93 = vector.load %arg10[%swap3A_91, %swap3A_92] : memref<1x16xf32, #tpu.memory_space<vmem>>, vector<1x16xf32>
      tpu.vector_store %arg10[%swap3A_91, %swap3A_92], %broadcast_in_dim3A_77 {strides = array<i32>} : memref<1x16xf32, #tpu.memory_space<vmem>>, vector<1x16xf32>,
    } else {
    }
    %ne3A = arith.constant 0 : i32
    %ne3A_82 = arith.cmpi ne, %arg0, %ne3A : i32
    %convert_element_type3A_83 = arith.extui %ne3A_82 : i1 to i32
    %cond3A_84 = arith.constant 0 : i32
    %cond3A_85 = arith.cmpi ne, %convert_element_type3A_83, %cond3A_84 : i32
    scf.if %cond3A_85 {
      %get3A_91 = arith.constant 0 : index
      %get3A_92 = arith.constant 0 : index
      %get3A_93 = vector.load %arg10[%get3A_91, %get3A_92] : memref<1x16xf32, #tpu.memory_space<vmem>>, vector<1x16xf32>
      %add3A_94 = arith.addf %get3A_93, %broadcast_in_dim3A_77 : vector<1x16xf32>
      %swap3A_95 = arith.constant 0 : index
      %swap3A_96 = arith.constant 0 : index
      %swap3A_97 = vector.load %arg10[%swap3A_95, %swap3A_96] : memref<1x16xf32, #tpu.memory_space<vmem>>, vector<1x16xf32>
      tpu.vector_store %arg10[%swap3A_95, %swap3A_96], %add3A_94 {strides = array<i32>} : memref<1x16xf32, #tpu.memory_space<vmem>>, vector<1x16xf32>,
    } else {
    }
    %eq3A_86 = arith.constant 7 : i32
    %eq3A_87 = arith.cmpi eq, %arg0, %eq3A_86 : i32
    %convert_element_type3A_88 = arith.extui %eq3A_87 : i1 to i32
    %cond3A_89 = arith.constant 0 : i32
    %cond3A_90 = arith.cmpi ne, %convert_element_type3A_88, %cond3A_89 : i32
    scf.if %cond3A_90 {
      %get3A_91 = arith.constant 0 : index
      %get3A_92 = arith.constant 0 : index
      %get3A_93 = vector.load %arg10[%get3A_91, %get3A_92] : memref<1x16xf32, #tpu.memory_space<vmem>>, vector<1x16xf32>
      %div3A_94 = arith.constant 2.048000e+03 : f32
      %div3A_95 = vector.broadcast %div3A_94 : f32 to vector<1x16xf32>
      %div3A_96 = arith.divf %get3A_93, %div3A_95 : vector<1x16xf32>
      %mul3A = arith.constant 1.600000e+01 : f32
      %mul3A_97 = vector.broadcast %mul3A : f32 to vector<1x16xf32>
      %mul3A_98 = arith.mulf %div3A_96, %mul3A_97 : vector<1x16xf32>
      %add3A_99 = arith.constant 9.99999971E-10 : f32
      %add3A_100 = vector.broadcast %add3A_99 : f32 to vector<1x16xf32>
      %add3A_101 = arith.addf %mul3A_98, %add3A_100 : vector<1x16xf32>
      %log3A = math.log %add3A_101 : vector<1x16xf32>
      %mul3A_102 = arith.mulf %div3A_96, %log3A : vector<1x16xf32>
      %reduce_sum3A_103 = vector.shape_cast %mul3A_102 : vector<1x16xf32> to vector<1x1x16xf32>
      %reduce_sum3A_104 = arith.constant dense<0.000000e+00> : vector<1xf32>
      %reduce_sum3A_105 = vector.multi_reduction <add>, %reduce_sum3A_103, %reduce_sum3A_104 [1, 2] : vector<1x1x16xf32> to vector<1xf32>
      %reduce_sum3A_106 = vector.shape_cast %reduce_sum3A_105 : vector<1xf32> to vector<1x1x1xf32>
      %reduce_sum3A_107 = vector.extract %reduce_sum3A_106[0, 0, 0] : f32 from vector<1x1x1xf32>
      %swap3A_108 = arith.constant 0 : index
      %swap3A_109 = arith.constant 0 : index
      %swap3A_110 = memref.load %arg9[%swap3A_108, %swap3A_109] : memref<1x1xf32, #tpu.memory_space<smem>>
      memref.store %reduce_sum3A_107, %arg9[%swap3A_108, %swap3A_109] : memref<1x1xf32, #tpu.memory_space<smem>>
    } else {
    }
    return
  }
  func.func @transform_0(%arg0: i32) -> (i32, i32) {
    %c0_i32 = arith.constant 0 : i32
    %c0_i32_0 = arith.constant 0 : i32
    return %arg0, %c0_i32 : i32, i32
  }
  func.func @transform_1(%arg0: i32) -> (i32, i32) {
    %c0_i32 = arith.constant 0 : i32
    %c0_i32_0 = arith.constant 0 : i32
    %c0_i32_1 = arith.constant 0 : i32
    return %c0_i32, %c0_i32_0 : i32, i32
  }
  func.func @transform_2(%arg0: i32) -> (i32, i32) {
    %c0_i32 = arith.constant 0 : i32
    %c0_i32_0 = arith.constant 0 : i32
    %c0_i32_1 = arith.constant 0 : i32
    return %c0_i32, %c0_i32_0 : i32, i32
  }
  func.func @transform_3(%arg0: i32) -> (i32, i32) {
    %c0_i32 = arith.constant 0 : i32
    %c0_i32_0 = arith.constant 0 : i32
    %c0_i32_1 = arith.constant 0 : i32
    return %c0_i32, %c0_i32_0 : i32, i32
  }
  func.func @transform_4(%arg0: i32) -> (i32, i32) {
    %c0_i32 = arith.constant 0 : i32
    %c0_i32_0 = arith.constant 0 : i32
    %c0_i32_1 = arith.constant 0 : i32
    return %c0_i32, %c0_i32_0 : i32, i32
  }
  func.func @transform_5(%arg0: i32) -> (i32, i32) {
    %c0_i32 = arith.constant 0 : i32
    %c0_i32_0 = arith.constant 0 : i32
    return %arg0, %c0_i32 : i32, i32
  }
  func.func @transform_6(%arg0: i32) -> (i32, i32) {
    %c0_i32 = arith.constant 0 : i32
    %c0_i32_0 = arith.constant 0 : i32
    return %arg0, %c0_i32 : i32, i32
  }
  func.func @transform_7(%arg0: i32) -> (i32, i32) {
    %c0_i32 = arith.constant 0 : i32
    %c0_i32_0 = arith.constant 0 : i32
    return %arg0, %c0_i32 : i32, i32
  }
  func.func @transform_8(%arg0: i32) -> (i32, i32) {
    %c0_i32 = arith.constant 0 : i32
    %c0_i32_0 = arith.constant 0 : i32
    %c0_i32_1 = arith.constant 0 : i32
    return %c0_i32, %c0_i32_0 : i32, i32
  }
}

module attributes {stable_mosaic.version = 14 : i64} {
  func.func @_disp_body(%arg0: i32, %arg1: memref<256x16xf32, #tpu.memory_space<vmem>>, %arg2: memref<256x16x384xf32, #tpu.memory_space<vmem>>) attributes {dimension_semantics = [#tpu.dimension_semantics<arbitrary>], iteration_bounds = array<i64: 8>, scalar_prefetch = 0 : i64, scratch_operands = 0 : i64, tpu.core_type = #tpu.core_type<tc>, window_params = [{transform_indices = @transform_0, window_bounds = array<i64: 256, 16>}, {transform_indices = @transform_1, window_bounds = array<i64: 256, 16, 384>}]} {
    %iota3A = tpu.iota {dimensions = array<i32: 2>} : vector<256x16x384xi32>
    %eq3A = arith.constant 0 : i32
    %eq3A_0 = vector.broadcast %eq3A : i32 to vector<256x16x384xi32>
    %eq3A_1 = arith.cmpi eq, %iota3A, %eq3A_0 : vector<256x16x384xi32>
    %get3A = arith.constant 0 : index
    %get3A_2 = arith.constant 0 : index
    %get3A_3 = vector.load %arg1[%get3A, %get3A_2] : memref<256x16xf32, #tpu.memory_space<vmem>>, vector<256x16xf32>
    %broadcast_in_dim3A = vector.shape_cast %get3A_3 : vector<256x16xf32> to vector<256x16x1xf32>
    %jit3A = arith.constant 0.000000e+00 : f32
    %broadcast_in_dim3A_4 = vector.shape_cast %broadcast_in_dim3A : vector<256x16x1xf32> to vector<256x16x1xf32>
    %broadcast_in_dim3A_5 = vector.broadcast %broadcast_in_dim3A_4 : vector<256x16x1xf32> to vector<256x16x384xf32>
    %broadcast_in_dim3A_6 = vector.broadcast %jit3A : f32 to vector<256x16x384xf32>
    %select_n3A = arith.select %eq3A_1, %broadcast_in_dim3A_5, %broadcast_in_dim3A_6 : vector<256x16x384xi1>, vector<256x16x384xf32>
    %swap3A = arith.constant 0 : index
    %swap3A_7 = arith.constant 0 : index
    %swap3A_8 = arith.constant 0 : index
    %swap3A_9 = vector.load %arg2[%swap3A, %swap3A_7, %swap3A_8] : memref<256x16x384xf32, #tpu.memory_space<vmem>>, vector<256x16x384xf32>
    tpu.vector_store %arg2[%swap3A, %swap3A_7, %swap3A_8], %select_n3A {strides = array<i32>} : memref<256x16x384xf32, #tpu.memory_space<vmem>>, vector<256x16x384xf32>,
    return
  }
  func.func @transform_0(%arg0: i32) -> (i32, i32) {
    %c0_i32 = arith.constant 0 : i32
    %c0_i32_0 = arith.constant 0 : i32
    return %arg0, %c0_i32 : i32, i32
  }
  func.func @transform_1(%arg0: i32) -> (i32, i32, i32) {
    %c0_i32 = arith.constant 0 : i32
    %c0_i32_0 = arith.constant 0 : i32
    %c0_i32_1 = arith.constant 0 : i32
    return %arg0, %c0_i32, %c0_i32_0 : i32, i32, i32
  }
}

</mosaic_0001>

<sc_bundles>
// kernel: kernel.5.cloned.1.call-start
scs
__scs_entry_jumppad:
0x0: {  	(pc) =	sbr.rel $0x88, $3  }
0x1: {  	(tag) =	ssettag $0x0;
	lr =	simm.s32 $0x1  }
0x2: {  	[smem:$0x3F9C] =	sst lr;
	_ =	strace $0xD0000000  }
0x3: {  	_ = 	snop  }
0x4: {  	_ = 	snop  }
0x5: {  	_ = 	snop  }
0x6: {  	_ = 	snop  }
0x7: {  	_ = 	snop  }
__scs_overlays_trampoline_lowered:
0x8: {  	[smem:$0x3FAB] =	sst s0  }
0x9: {  	[smem:$0x3FAC] =	sst s1  }
0xa: {  	[smem:$0x3FAD] =	sst s2  }
0xb: {  	[smem:$0x3FAE] =	sst s3  }
0xc: {  	[smem:$0x3FAF] =	sst s4  }
0xd: {  	[smem:$0x3FB0] =	sst s5  }
0xe: {  	[smem:$0x3FB1] =	sst s6  }
0xf: {  	[smem:$0x3FB2] =	sst s7  }
0x10: {  	[smem:$0x3FB3] =	sst s8  }
0x11: {  	[smem:$0x3FB4] =	sst s9;
	s0 =	simm.s32 @!p0 $0x0  }
0x12: {  	s1 =	sld [smem:$0x3F9A];
	s0 =	simm.s32 @p0 $0x1  }
0x13: {  	[smem:$0x3FB5] =	sst s0;
	s0 =	simm.s32 @!p1 $0x0  }
0x14: {  	s2 =	sld [smem:$0x3F99];
	s0 =	simm.s32 @p1 $0x1  }
0x15: {  	[smem:$0x3FB6] =	sst s0;
	s0 =	simm.s32 @!p2 $0x0  }
0x16: {  	s3 =	sld [smem:$0x3FDB];
	s0 =	simm.s32 @p2 $0x1  }
0x17: {  	s4 =	simm.s32 $0x1BF5;
	[smem:$0x3FB8] =	sst s0  }
0x18: {  	s0 =	sld [smem:$0x3F9B];
	_ =	swait.ge [sflag:s4], $0x0  }
0x19: {  	s7 =	sld [smem:$0x3F9C]  }
0x1a: {  	s8 =	sadd.s32 $0xFFFFE003, lr  }
0x1b: {  	s9 =	sadd.s32 $0xFFFFFEF7, lr;
	s5 =	simm.s32 $0xFFFFFFFF;
	p2 =	slt.u32 s8, $0xFFFFF086  }
0x1c: {  	p1 =	slt.u32 s9, $0xF7A;
	s5 =	simm.s32 @!p2 $0x0  }
0x1d: {  	s5 =	simm.s32 @p1 $0x1;
	p0 =	seq.s32 s7, s2  }
0x1e: {  	s7 =	smul.u32 @!p0 $0xF7A, s2;
	p2 =	seq.s32 @!p0 s5, $0x0  }
0x1f: {  	s9 =	smul.u32 $0xF7A, s1;
	s8 =	simm.s32 @!p0 $0x1BF5;
	p2 =	por !p2, p0  }
0x20: {  	[sflag:s8] =	ssyncset.s32 @!p0 $0xFFFFF086;
	s6 =	sadd.s32 @!p0 s3, s7;
	s7 =	simm.s32 @!p0 $0x108  }
0x21: {  	s3 =	sadd.s32 s3, s9;
	s6 =	sadd.s32 @!p0 $0x88, s6;
	s7 =	simm.s32 @p2 $0x1082  }
0x22: {  	[simem:s7], [sflag:s8] =	dma.local @!p0 [hbm:s6], $0xF7A  }
0x23: {  	s9 =	sor.u32 $0xD0000000, s2;
	s6 =	simm.s32 $0x108;
	_ =	swait.ge @!p0 [sflag:s8], $0x0  }
0x24: {  	s3 =	sadd.s32 $0x88, s3;
	s6 =	simm.s32 @!p1 $0x1082;
	[sflag:s4] =	ssyncset.s32 $0xFFFFF086  }
0x25: {  	[simem:s6], [sflag:s4] =	dma.local [hbm:s3], $0xF7A  }
0x26: {  	[smem:$0x3F9C] =	sst s1;
	(tag) =	ssettag s2;
	_ =	strace s9  }
0x27: {  	s1 =	sld [smem:$0x3FAC]  }
0x28: {  	s2 =	sld [smem:$0x3FAD]  }
0x29: {  	s4 =	sld [smem:$0x3FAF]  }
0x2a: {  	p0 =	seq.s32 s5, $0x0;
	s5 =	sld [smem:$0x3FB0]  }
0x2b: {  	s6 =	sld [smem:$0x3FB1]  }
0x2c: {  	s7 =	sld [smem:$0x3FB2]  }
0x2d: {  	s3 =	simm.s32 $0x108;
	s8 =	sld [smem:$0x3FB3]  }
0x2e: {  	s3 =	simm.s32 @!p0 $0x1082;
	s9 =	sld [smem:$0x3FB4]  }
0x2f: {  	lr =	sadd.s32 s0, s3;
	s0 =	sld [smem:$0x3FAB]  }
0x30: {  	s3 =	sld [smem:$0x3FAE]  }
0x31: {  	[smem:$0x3FB7] =	sst s10  }
0x32: {  	s10 =	sld [smem:$0x3FB5];
	_ =	sdelay $0x3  }
0x33: {  	p0 =	seq.s32 s10, $0x1;
	s10 =	sld [smem:$0x3FB7];
	_ =	sdelay $0x3  }
0x34: {  	[smem:$0x3FB7] =	sst s10  }
0x35: {  	s10 =	sld [smem:$0x3FB6];
	_ =	sdelay $0x3  }
0x36: {  	p1 =	seq.s32 s10, $0x1;
	s10 =	sld [smem:$0x3FB7];
	_ =	sdelay $0x3  }
0x37: {  	[smem:$0x3FB7] =	sst s10  }
0x38: {  	s10 =	sld [smem:$0x3FB8]  }
0x39: {  	_ = 	snop;
	(pc) =	sbr.ind lr, $3  }
0x3a: {  	_ = 	snop  }
0x3b: {  	_ = 	snop  }
0x3c: {  	p2 =	seq.s32 s10, $0x1;
	s10 =	sld [smem:$0x3FB7]  }
0x3d: {  	_ =	shalt  }
0x3e: {  	_ =	shalt  }
0x3f: {  	_ =	shalt  }
0x40: {  	_ =	shalt  }
0x41: {  	_ =	shalt  }
0x42: {  	_ =	shalt  }
0x43: {  	_ =	shalt  }
0x44: {  	_ =	shalt  }
0x45: {  	_ =	shalt  }
0x46: {  	_ =	shalt  }
0x47: {  	_ =	shalt  }
0x48: {  	_ =	shalt  }
0x49: {  	_ =	shalt  }
0x4a: {  	_ =	shalt  }
0x4b: {  	_ =	shalt  }
0x4c: {  	_ =	shalt  }
0x4d: {  	_ =	shalt  }
0x4e: {  	_ =	shalt  }
0x4f: {  	_ =	shalt  }
0x50: {  	_ =	shalt  }
0x51: {  	_ =	shalt  }
0x52: {  	_ =	shalt  }
0x53: {  	_ =	shalt  }
0x54: {  	_ =	shalt  }
0x55: {  	_ =	shalt  }
0x56: {  	_ =	shalt  }
0x57: {  	_ =	shalt  }
0x58: {  	_ =	shalt  }
0x59: {  	_ =	shalt  }
0x5a: {  	_ =	shalt  }
0x5b: {  	_ =	shalt  }
0x5c: {  	_ =	shalt  }
0x5d: {  	_ =	shalt  }
0x5e: {  	_ =	shalt  }
0x5f: {  	_ =	shalt  }
0x60: {  	_ =	shalt  }
0x61: {  	_ =	shalt  }
0x62: {  	_ =	shalt  }
0x63: {  	_ =	shalt  }
0x64: {  	_ =	shalt  }
0x65: {  	_ =	shalt  }
0x66: {  	_ =	shalt  }
0x67: {  	_ =	shalt  }
0x68: {  	_ =	shalt  }
0x69: {  	_ =	shalt  }
0x6a: {  	_ =	shalt  }
0x6b: {  	_ =	shalt  }
0x6c: {  	_ =	shalt  }
0x6d: {  	_ =	shalt  }
0x6e: {  	_ =	shalt  }
0x6f: {  	_ =	shalt  }
0x70: {  	_ =	shalt  }
0x71: {  	_ =	shalt  }
0x72: {  	_ =	shalt  }
0x73: {  	_ =	shalt  }
0x74: {  	_ =	shalt  }
0x75: {  	_ =	shalt  }
0x76: {  	_ =	shalt  }
0x77: {  	_ =	shalt  }
0x78: {  	_ =	shalt  }
0x79: {  	_ =	shalt  }
0x7a: {  	_ =	shalt  }
0x7b: {  	_ =	shalt  }
0x7c: {  	_ =	shalt  }
0x7d: {  	_ =	shalt  }
0x7e: {  	_ =	shalt  }
0x7f: {  	_ =	shalt  }
0x80: {  	_ =	shalt  }
0x81: {  	_ =	shalt  }
0x82: {  	_ =	shalt  }
0x83: {  	_ =	shalt  }
0x84: {  	_ =	shalt  }
0x85: {  	_ =	shalt  }
0x86: {  	_ =	shalt  }
0x87: {  	_ =	shalt  }
.Lfunc_end0:
.L_simem_size_0:
called_computation_lowered:
.L_overlay_start_0:
0x88: {  	s2 =	sld [smem:$0x3FD9]  }
0x89: {  	s3 =	sld [smem:$0x3FFE];
	_ =	sdelay $0x1  }
0x8a: {  	s1 =	srdreg.scid  }
0x8b: {  	s0 =	sand.u32 $0x1, s1  }
0x8c: {  	s14 =	sshll.u32 s0, $0xA;
	s2 =	sadd.s32 s3, s2  }
0x8d: {  	s2 =	sadd.s32 s2, s14  }
0x8e: {  	[smem:$0x3FC3] =	sst s2  }
0x8f: {  	_ = 	snop  }
0x90: {  	s2 =	sld [smem:$0x3FD0];
	_ =	sdelay $0x2  }
0x91: {  	s15 =	simm.s32 $0xA;
	s4 =	simm.s32 $0x10  }
0x92: {  	[smem:s4], [sflag:s15] =	dma.local [hbm:s2], $0x1  }
0x93: {  	_ =	swait.eq [sflag:s15], $0x1  }
0x94: {  	[sflag:s15] =	ssyncset.done $0x0  }
0x95: {  	[sflag:s15] =	ssyncadd.s32 $0xFFFFFFFF  }
0x96: {  	s16 =	sld [smem:$0x11];
	(tm) =	ssettm $0x1  }
0x97: {  	s17 =	sld [smem:$0x3FFB];
	_ =	sdelay $0x3  }
0x98: {  	_ =	strace s17  }
0x99: {  	s3 =	sld [smem:$0x3FFC];
	_ =	sdelay $0x3  }
0x9a: {  	_ =	strace s3  }
0x9b: {  	s3 =	sld [smem:$0x3FFD];
	_ =	sdelay $0x3  }
0x9c: {  	_ =	strace s3  }
0x9d: {  	_ =	strace $0x8FFFFFFF  }
0x9e: {  	s18 =	sld [smem:$0x3FDB];
	_ =	sdelay $0x1  }
0x9f: {  	s19 =	simm.s32 $_scs_section_size  }
0xa0: {  	s5 =	simm.s32 $_size__tile_overlayer_lowered;
	s6 =	simm.s32 $_tile_overlayer_lowered  }
0xa1: {  	s22 =	simm.s32 $0x1BFF;
	s21 =	sshll.u32 s6, $0x1;
	s3 =	sadd.s32 s19, s18  }
0xa2: {  	s7 =	simm.s32 $0x0;
	s20 =	sshll.u32 s5, $0x1;
	s5 =	sadd.s32 s21, s3  }
0xa3: {  	[timem:s7], [sflag:s22] =	dma.local [hbm:s5], s20  }
0xa4: {  	_ =	swait.ge [sflag:s22], s20  }
0xa5: {  	s4 =	ssub.s32 $0x0, s20;
	[sflag:s22] =	ssyncset.done $0x0  }
0xa6: {  	[sflag:s22] =	ssyncadd.s32 s4;
	_ =	sdelay $0x1  }
0xa7: {  	s23 =	simm.s32 $0x1B8B  }
0xa8: {  	_ =	swait.ge [sflag:s23], $0x1  }
0xa9: {  	[sflag:s23] =	ssyncset.done $0x0  }
0xaa: {  	s25 =	simm.s32 $0x1B8E;
	s24 =	sld [smem:$0x3FFE];
	[sflag:s23] =	ssyncadd.s32 $0xFFFFFFFF  }
0xab: {  	s26 =	simm.s32 $execute0_lowered;
	[smem:$0x3FD2] =	sst s25  }
0xac: {  	s5 =	sshll.u32 s26, $0x1;
	_ =	strace $0x80000046;
	[dreg:$0x1] =	wrdreg $0xFFFFFFFF  }
0xad: {  	s28 =	simm.s32 $_size_execute0_lowered;
	s3 =	sadd.s32 s3, s5;
	[dreg:$0x0] =	wrdreg $0x0  }
0xae: {  	s5 =	sshll.u32 s28, $0x1;
	[dreg:$0x2] =	wrdreg s3  }
0xaf: {  	[dreg:$0x3] =	wrdreg s5  }
0xb0: {  	[dreg:$0x4] =	wrdreg $0xC0  }
0xb1: {  	_ =	task [dreg:s7], $0x5FFFF  }
0xb2: {  	[dreg:$0x1] =	wrdreg $0xFFFFFFFF  }
0xb3: {  	[dreg:$0x0] =	wrdreg $0x60  }
0xb4: {  	[dreg:$0x2] =	wrdreg s24  }
0xb5: {  	[dreg:$0x3] =	wrdreg s16  }
0xb6: {  	[dreg:$0x4] =	wrdreg $0x9  }
0xb7: {  	_ =	task.clear_ibuf [dreg:s7], $0x5FFFF;
	_ =	strace $0x90000046  }
0xb8: {  	s29 =	simm.s32 $0x9;
	_ =	strace $0x80000048  }
0xb9: {  	_ =	swait.ge [sflag:s29], $0x1  }
0xba: {  	[sflag:s29] =	ssyncadd.s32 $0xFFFFFFFF  }
0xbb: {  	_ =	strace $0x90000048  }
0xbc: {  	_ =	sfence  }
0xbd: {  	s30 =	sld [smem:$0x0];
	_ =	sdelay $0x2  }
0xbe: {  	s31 =	sshll.u32 s1, $0xD;
	s1 =	sshrl.u32 s1, $0x2  }
0xbf: {  	s3 =	sand.u32 $0x4000, s31;
	s1 =	sadd.s32 s1, s30  }
0xc0: {  	s0 =	sor.u32 s3, s0;
	s1 =	sshll.u32 s1, $0x11  }
0xc1: {  	s0 =	sor.u32 s1, s0  }
0xc2: {  	s0 =	sadd.s32 $0x8F2B, s0  }
0xc3: {  	[sflag:s0] =	ssyncadd.remote.s32 $0x1  }
0xc4: {  	_ =	sfence.sel $0xFFFF  }
0xc5: {  	[dreg:$0x0] =	wrdreg $0xFFFFFFFF;
	(pc) =	sbr.abs _section_cstart, $3  }
0xc6: {  	[dreg:$0x1] =	wrdreg $0xFFFFFFFF  }
0xc7: {  	_ =	task.clear_ibuf [dreg:s7], $0x2FFFF;
	_ =	strace $0x9FFFFFFF  }
0xc8: {  	(tm) =	ssettm $0x7FFFFFFF  }
0xc9: {  	_ =	shalt  }
tec
execute0_lowered:
.L_overlay_start_1:
0x0: {  	(tag) =	ssettag $0x1  }
0x1: {  	v0 =	vimm.s32 $0xF80  }
0x2: {  	vm14 =	vcmask $0x300;
	vm13 =	vcmask $0x704;
	vm12 =	vcmask $0xB08  }
0x3: {  	vm11 =	vcmask $0xF0C;
	vm10 =	vcmask $0x1310;
	vm9 =	vcmask $0x1714  }
0x4: {  	vm8 =	vcmask $0x1B18;
	vm7 =	vcmask $0x1F1C;
	vm6 =	vcmask $0x2320  }
0x5: {  	vm5 =	vcmask $0x2724;
	vm4 =	vcmask $0x2B28;
	vm3 =	vcmask $0x2F2C  }
0x6: {  	vm2 =	vcmask $0x3330;
	vm1 =	vcmask $0x3734;
	vm0 =	vcmask $0x3B38  }
0x7: {  	v1 =	vimm.s32 $0x2780;
	v2 =	vimm.s32 $0x3F80;
	v3 =	vimm.s32 $0x5780  }
0x8: {  	v4 =	vimm.s32 $0x6F80;
	v5 =	vimm.s32 $0x8780;
	v6 =	vimm.s32 $0x9F80  }
0x9: {  	v7 =	vimm.s32 $0xB780;
	v8 =	vimm.s32 $0xCF80;
	v9 =	vimm.s32 $0xE780  }
0xa: {  	v10 =	vimm.s32 $0xFF80;
	v11 =	vimm.s32 $0x11780;
	v12 =	vimm.s32 $0x12F80  }
0xb: {  	v13 =	vimm.s32 $0x14780;
	v14 =	vimm.s32 $0x15F80;
	v15 =	vimm.s32 $0x17780  }
0xc: {  	v0 =	vsel vm14, $0x0, v0;
	v1 =	vsel vm14, $0x1800, v1;
	v2 =	vsel vm14, $0x3000, v2  }
0xd: {  	v3 =	vsel vm14, $0x4800, v3;
	v4 =	vsel vm14, $0x6000, v4;
	v5 =	vsel vm14, $0x7800, v5  }
0xe: {  	v6 =	vsel vm14, $0x9000, v6;
	v7 =	vsel vm14, $0xA800, v7;
	v8 =	vsel vm14, $0xC000, v8  }
0xf: {  	v9 =	vsel vm14, $0xD800, v9;
	v10 =	vsel vm14, $0xF000, v10;
	v11 =	vsel vm14, $0x10800, v11  }
0x10: {  	v12 =	vsel vm14, $0x12000, v12;
	v13 =	vsel vm14, $0x13800, v13;
	v14 =	vsel vm14, $0x15000, v14  }
0x11: {  	v15 =	vsel vm14, $0x16800, v15;
	v0 =	vsel vm13, $0x80, v0;
	v1 =	vsel vm13, $0x1880, v1  }
0x12: {  	v2 =	vsel vm13, $0x3080, v2;
	v3 =	vsel vm13, $0x4880, v3;
	v4 =	vsel vm13, $0x6080, v4  }
0x13: {  	v5 =	vsel vm13, $0x7880, v5;
	v6 =	vsel vm13, $0x9080, v6;
	v7 =	vsel vm13, $0xA880, v7  }
0x14: {  	v8 =	vsel vm13, $0xC080, v8;
	v9 =	vsel vm13, $0xD880, v9;
	v10 =	vsel vm13, $0xF080, v10  }
0x15: {  	v11 =	vsel vm13, $0x10880, v11;
	v12 =	vsel vm13, $0x12080, v12;
	v13 =	vsel vm13, $0x13880, v13  }
0x16: {  	v14 =	vsel vm13, $0x15080, v14;
	v15 =	vsel vm13, $0x16880, v15;
	v0 =	vsel vm12, $0x100, v0  }
0x17: {  	v1 =	vsel vm12, $0x1900, v1;
	v2 =	vsel vm12, $0x3100, v2;
	v3 =	vsel vm12, $0x4900, v3  }
0x18: {  	v4 =	vsel vm12, $0x6100, v4;
	v5 =	vsel vm12, $0x7900, v5;
	v6 =	vsel vm12, $0x9100, v6  }
0x19: {  	v7 =	vsel vm12, $0xA900, v7;
	v8 =	vsel vm12, $0xC100, v8;
	v9 =	vsel vm12, $0xD900, v9  }
0x1a: {  	v10 =	vsel vm12, $0xF100, v10;
	v11 =	vsel vm12, $0x10900, v11;
	v12 =	vsel vm12, $0x12100, v12  }
0x1b: {  	v13 =	vsel vm12, $0x13900, v13;
	v14 =	vsel vm12, $0x15100, v14;
	v15 =	vsel vm12, $0x16900, v15  }
0x1c: {  	v0 =	vsel vm11, $0x180, v0;
	v1 =	vsel vm11, $0x1980, v1;
	v2 =	vsel vm11, $0x3180, v2  }
0x1d: {  	v3 =	vsel vm11, $0x4980, v3;
	v4 =	vsel vm11, $0x6180, v4;
	v5 =	vsel vm11, $0x7980, v5  }
0x1e: {  	v6 =	vsel vm11, $0x9180, v6;
	v7 =	vsel vm11, $0xA980, v7;
	v8 =	vsel vm11, $0xC180, v8  }
0x1f: {  	v9 =	vsel vm11, $0xD980, v9;
	v10 =	vsel vm11, $0xF180, v10;
	v11 =	vsel vm11, $0x10980, v11  }
0x20: {  	v12 =	vsel vm11, $0x12180, v12;
	v13 =	vsel vm11, $0x13980, v13;
	v14 =	vsel vm11, $0x15180, v14  }
0x21: {  	v15 =	vsel vm11, $0x16980, v15;
	v0 =	vsel vm10, $0x200, v0;
	v1 =	vsel vm10, $0x1A00, v1  }
0x22: {  	v2 =	vsel vm10, $0x3200, v2;
	v3 =	vsel vm10, $0x4A00, v3;
	v4 =	vsel vm10, $0x6200, v4  }
0x23: {  	v5 =	vsel vm10, $0x7A00, v5;
	v6 =	vsel vm10, $0x9200, v6;
	v7 =	vsel vm10, $0xAA00, v7  }
0x24: {  	v8 =	vsel vm10, $0xC200, v8;
	v9 =	vsel vm10, $0xDA00, v9;
	v10 =	vsel vm10, $0xF200, v10  }
0x25: {  	v11 =	vsel vm10, $0x10A00, v11;
	v12 =	vsel vm10, $0x12200, v12;
	v13 =	vsel vm10, $0x13A00, v13  }
0x26: {  	v14 =	vsel vm10, $0x15200, v14;
	v15 =	vsel vm10, $0x16A00, v15;
	v0 =	vsel vm9, $0x280, v0  }
0x27: {  	v1 =	vsel vm9, $0x1A80, v1;
	v2 =	vsel vm9, $0x3280, v2;
	v3 =	vsel vm9, $0x4A80, v3  }
0x28: {  	v4 =	vsel vm9, $0x6280, v4;
	v5 =	vsel vm9, $0x7A80, v5;
	v6 =	vsel vm9, $0x9280, v6  }
0x29: {  	v7 =	vsel vm9, $0xAA80, v7;
	v8 =	vsel vm9, $0xC280, v8;
	v9 =	vsel vm9, $0xDA80, v9  }
0x2a: {  	v10 =	vsel vm9, $0xF280, v10;
	v11 =	vsel vm9, $0x10A80, v11;
	v12 =	vsel vm9, $0x12280, v12  }
0x2b: {  	v13 =	vsel vm9, $0x13A80, v13;
	v14 =	vsel vm9, $0x15280, v14;
	v15 =	vsel vm9, $0x16A80, v15  }
0x2c: {  	v0 =	vsel vm8, $0x300, v0;
	v1 =	vsel vm8, $0x1B00, v1;
	v2 =	vsel vm8, $0x3300, v2  }
0x2d: {  	v3 =	vsel vm8, $0x4B00, v3;
	v4 =	vsel vm8, $0x6300, v4;
	v5 =	vsel vm8, $0x7B00, v5  }
0x2e: {  	v6 =	vsel vm8, $0x9300, v6;
	v7 =	vsel vm8, $0xAB00, v7;
	v8 =	vsel vm8, $0xC300, v8  }
0x2f: {  	v9 =	vsel vm8, $0xDB00, v9;
	v10 =	vsel vm8, $0xF300, v10;
	v11 =	vsel vm8, $0x10B00, v11  }
0x30: {  	v12 =	vsel vm8, $0x12300, v12;
	v13 =	vsel vm8, $0x13B00, v13;
	v14 =	vsel vm8, $0x15300, v14  }
0x31: {  	v15 =	vsel vm8, $0x16B00, v15;
	v0 =	vsel vm7, $0x380, v0;
	v1 =	vsel vm7, $0x1B80, v1  }
0x32: {  	v2 =	vsel vm7, $0x3380, v2;
	v3 =	vsel vm7, $0x4B80, v3;
	v4 =	vsel vm7, $0x6380, v4  }
0x33: {  	v5 =	vsel vm7, $0x7B80, v5;
	v6 =	vsel vm7, $0x9380, v6;
	v7 =	vsel vm7, $0xAB80, v7  }
0x34: {  	v8 =	vsel vm7, $0xC380, v8;
	v9 =	vsel vm7, $0xDB80, v9;
	v10 =	vsel vm7, $0xF380, v10  }
0x35: {  	v11 =	vsel vm7, $0x10B80, v11;
	v12 =	vsel vm7, $0x12380, v12;
	v13 =	vsel vm7, $0x13B80, v13  }
0x36: {  	v14 =	vsel vm7, $0x15380, v14;
	v15 =	vsel vm7, $0x16B80, v15;
	v0 =	vsel vm6, $0xC00, v0  }
0x37: {  	v1 =	vsel vm6, $0x2400, v1;
	v2 =	vsel vm6, $0x3C00, v2;
	v3 =	vsel vm6, $0x5400, v3  }
0x38: {  	v4 =	vsel vm6, $0x6C00, v4;
	v5 =	vsel vm6, $0x8400, v5;
	v6 =	vsel vm6, $0x9C00, v6  }
0x39: {  	v7 =	vsel vm6, $0xB400, v7;
	v8 =	vsel vm6, $0xCC00, v8;
	v9 =	vsel vm6, $0xE400, v9  }
0x3a: {  	v10 =	vsel vm6, $0xFC00, v10;
	v11 =	vsel vm6, $0x11400, v11;
	v12 =	vsel vm6, $0x12C00, v12  }
0x3b: {  	v13 =	vsel vm6, $0x14400, v13;
	v14 =	vsel vm6, $0x15C00, v14;
	v15 =	vsel vm6, $0x17400, v15  }
0x3c: {  	v0 =	vsel vm5, $0xC80, v0;
	v1 =	vsel vm5, $0x2480, v1;
	v2 =	vsel vm5, $0x3C80, v2  }
0x3d: {  	v3 =	vsel vm5, $0x5480, v3;
	v4 =	vsel vm5, $0x6C80, v4;
	v5 =	vsel vm5, $0x8480, v5  }
0x3e: {  	v6 =	vsel vm5, $0x9C80, v6;
	v7 =	vsel vm5, $0xB480, v7;
	v8 =	vsel vm5, $0xCC80, v8  }
0x3f: {  	v9 =	vsel vm5, $0xE480, v9;
	v10 =	vsel vm5, $0xFC80, v10;
	v11 =	vsel vm5, $0x11480, v11  }
0x40: {  	v12 =	vsel vm5, $0x12C80, v12;
	v13 =	vsel vm5, $0x14480, v13;
	v14 =	vsel vm5, $0x15C80, v14  }
0x41: {  	v15 =	vsel vm5, $0x17480, v15;
	v0 =	vsel vm4, $0xD00, v0;
	v1 =	vsel vm4, $0x2500, v1  }
0x42: {  	v2 =	vsel vm4, $0x3D00, v2;
	v3 =	vsel vm4, $0x5500, v3;
	v4 =	vsel vm4, $0x6D00, v4  }
0x43: {  	v5 =	vsel vm4, $0x8500, v5;
	v6 =	vsel vm4, $0x9D00, v6;
	v7 =	vsel vm4, $0xB500, v7  }
0x44: {  	v8 =	vsel vm4, $0xCD00, v8;
	v9 =	vsel vm4, $0xE500, v9;
	v10 =	vsel vm4, $0xFD00, v10  }
0x45: {  	v11 =	vsel vm4, $0x11500, v11;
	v12 =	vsel vm4, $0x12D00, v12;
	v13 =	vsel vm4, $0x14500, v13  }
0x46: {  	v14 =	vsel vm4, $0x15D00, v14;
	v15 =	vsel vm4, $0x17500, v15;
	v0 =	vsel vm3, $0xD80, v0  }
0x47: {  	v1 =	vsel vm3, $0x2580, v1;
	v2 =	vsel vm3, $0x3D80, v2;
	v3 =	vsel vm3, $0x5580, v3  }
0x48: {  	v4 =	vsel vm3, $0x6D80, v4;
	v5 =	vsel vm3, $0x8580, v5;
	v6 =	vsel vm3, $0x9D80, v6  }
0x49: {  	v7 =	vsel vm3, $0xB580, v7;
	v8 =	vsel vm3, $0xCD80, v8;
	v9 =	vsel vm3, $0xE580, v9  }
0x4a: {  	v10 =	vsel vm3, $0xFD80, v10;
	v11 =	vsel vm3, $0x11580, v11;
	v12 =	vsel vm3, $0x12D80, v12  }
0x4b: {  	v13 =	vsel vm3, $0x14580, v13;
	v14 =	vsel vm3, $0x15D80, v14;
	v15 =	vsel vm3, $0x17580, v15  }
0x4c: {  	v0 =	vsel vm2, $0xE00, v0;
	v1 =	vsel vm2, $0x2600, v1;
	v2 =	vsel vm2, $0x3E00, v2  }
0x4d: {  	v3 =	vsel vm2, $0x5600, v3;
	v4 =	vsel vm2, $0x6E00, v4;
	v5 =	vsel vm2, $0x8600, v5  }
0x4e: {  	v6 =	vsel vm2, $0x9E00, v6;
	v7 =	vsel vm2, $0xB600, v7;
	v8 =	vsel vm2, $0xCE00, v8  }
0x4f: {  	v9 =	vsel vm2, $0xE600, v9;
	v10 =	vsel vm2, $0xFE00, v10;
	v11 =	vsel vm2, $0x11600, v11  }
0x50: {  	v12 =	vsel vm2, $0x12E00, v12;
	v13 =	vsel vm2, $0x14600, v13;
	v14 =	vsel vm2, $0x15E00, v14  }
0x51: {  	s3 =	rddreg [dreg:$0x0];
	v15 =	vsel vm2, $0x17600, v15;
	v0 =	vsel vm1, $0xE80, v0;
	v1 =	vsel vm1, $0x2680, v1  }
0x52: {  	s6 =	rddreg [dreg:$0x1];
	v2 =	vsel vm1, $0x3E80, v2;
	v3 =	vsel vm1, $0x5680, v3;
	v4 =	vsel vm1, $0x6E80, v4  }
0x53: {  	s0 =	rddreg [dreg:$0x2];
	s2 =	simm.s32 $0x0;
	s4 =	srdreg.scid;
	v5 =	vsel vm1, $0x8680, v5;
	v6 =	vsel vm1, $0x9E80, v6;
	v7 =	vsel vm1, $0xB680, v7  }
0x54: {  	s1 =	stileid.u32;
	s10 =	simm.s32 $0x18000;
	s11 =	simm.s32 $0x1;
	v8 =	vsel vm1, $0xCE80, v8;
	v9 =	vsel vm1, $0xE680, v9;
	v10 =	vsel vm1, $0xFE80, v10  }
0x55: {  	[smem:$0x7FF] =	sst s2;
	s4 =	sand.u32 $0x1, s4;
	s5 =	sshll.u32 s1, $0x1;
	v11 =	vsel vm1, $0x11680, v11;
	v12 =	vsel vm1, $0x12E80, v12;
	v13 =	vsel vm1, $0x14680, v13  }
0x56: {  	_ =	strace $0x80000047;
	s5 =	sor.u32 s4, s5;
	s4 =	ssub.s32 $0x2, s4;
	v14 =	vsel vm1, $0x15E80, v14;
	v15 =	vsel vm1, $0x17680, v15;
	v0 =	vsel vm0, $0xF00, v0  }
0x57: {  	s7 =	sshll.u32 s5, $0x7;
	s8 =	smul.u32 $0x60000, s5;
	s9 =	sshrl.u32 s4, $0x1;
	v1 =	vsel vm0, $0x2700, v1;
	v2 =	vsel vm0, $0x3F00, v2;
	v3 =	vsel vm0, $0x5700, v3  }
0x58: {  	s5 =	smul.u32 $0xC000, s5;
	s7 =	sadd.s32 s7, s3;
	s3 =	sadd.s32 $0x1E00, s3;
	v4 =	vsel vm0, $0x6F00, v4;
	v5 =	vsel vm0, $0x8700, v5;
	v6 =	vsel vm0, $0x9F00, v6  }
0x59: {  	s9 =	ssub.s32 s4, s9;
	s8 =	sshrl.u32 s8, $0x3;
	s4 =	sadd.s32 $0xE00, s7;
	v7 =	vsel vm0, $0xB700, v7;
	v8 =	vsel vm0, $0xCF00, v8;
	v9 =	vsel vm0, $0xE700, v9  }
0x5a: {  	s5 =	sadd.s32 s6, s5;
	s9 =	smax.u32 s9, $0x1;
	s8 =	sadd.s32 s6, s8;
	v10 =	vsel vm0, $0xFF00, v10;
	v11 =	vsel vm0, $0x11700, v11;
	v12 =	vsel vm0, $0x12F00, v12  }
0x5b: {  	s6 =	sadd.s32 $0x3000, s5;
	s7 =	sadd.s32 $0x6000, s8;
	s8 =	sadd.s32 $0x9000, s8;
	v13 =	vsel vm0, $0x14700, v13;
	v14 =	vsel vm0, $0x15F00, v14;
	v15 =	vsel vm0, $0x17700, v15  }
.LBB2_1:
0x5c: {  	[tilespmem:s10], [sflag:$0x1] =	stream.linear.gather [hbm4b:s4+s2], $0x400, $0x38;
	[tilespmem:$0x18400] =	vst v63  }
0x5d: {  	_ =	swait.ge [sflag:s11], $0x400  }
0x5e: {  	[sflag:s11] =	ssyncset.done $0x0  }
0x5f: {  	[sflag:s11] =	ssyncadd.s32 $0xFFFFFC00  }
0x60: {  	[tilespmem:s2], [sflag:$0x1] =	stream.linear.gather [hbm4b:s3+s2], $0x18000, $0x38;
	[tilespmem:$0x18400] =	vst v63  }
0x61: {  	_ =	swait.ge [sflag:s11], $0x18000  }
0x62: {  	[sflag:s11] =	ssyncset.done $0x0  }
0x63: {  	[sflag:s11] =	ssyncadd.s32 $0xFFFE8000  }
0x64: {  	v16 =	vld [tilespmem:$0x18000];
	_ =	sdelay $0x4  }
0x65: {  	[tilespmem:v0+s2+$0x0] =	vst.idx.msk $0xffff, v16  }
0x66: {  	v16 =	vld [tilespmem:$0x18010];
	_ =	sdelay $0x4  }
0x67: {  	[tilespmem:v1+s2+$0x0] =	vst.idx.msk $0xffff, v16  }
0x68: {  	v16 =	vld [tilespmem:$0x18020];
	_ =	sdelay $0x4  }
0x69: {  	[tilespmem:v2+s2+$0x0] =	vst.idx.msk $0xffff, v16  }
0x6a: {  	v16 =	vld [tilespmem:$0x18030];
	_ =	sdelay $0x4  }
0x6b: {  	[tilespmem:v3+s2+$0x0] =	vst.idx.msk $0xffff, v16  }
0x6c: {  	v16 =	vld [tilespmem:$0x18040];
	_ =	sdelay $0x4  }
0x6d: {  	[tilespmem:v4+s2+$0x0] =	vst.idx.msk $0xffff, v16  }
0x6e: {  	v16 =	vld [tilespmem:$0x18050];
	_ =	sdelay $0x4  }
0x6f: {  	[tilespmem:v5+s2+$0x0] =	vst.idx.msk $0xffff, v16  }
0x70: {  	v16 =	vld [tilespmem:$0x18060];
	_ =	sdelay $0x4  }
0x71: {  	[tilespmem:v6+s2+$0x0] =	vst.idx.msk $0xffff, v16  }
0x72: {  	v16 =	vld [tilespmem:$0x18070];
	_ =	sdelay $0x4  }
0x73: {  	[tilespmem:v7+s2+$0x0] =	vst.idx.msk $0xffff, v16  }
0x74: {  	v16 =	vld [tilespmem:$0x18080];
	_ =	sdelay $0x4  }
0x75: {  	[tilespmem:v8+s2+$0x0] =	vst.idx.msk $0xffff, v16  }
0x76: {  	v16 =	vld [tilespmem:$0x18090];
	_ =	sdelay $0x4  }
0x77: {  	[tilespmem:v9+s2+$0x0] =	vst.idx.msk $0xffff, v16  }
0x78: {  	v16 =	vld [tilespmem:$0x180A0];
	_ =	sdelay $0x4  }
0x79: {  	[tilespmem:v10+s2+$0x0] =	vst.idx.msk $0xffff, v16  }
0x7a: {  	v16 =	vld [tilespmem:$0x180B0];
	_ =	sdelay $0x4  }
0x7b: {  	[tilespmem:v11+s2+$0x0] =	vst.idx.msk $0xffff, v16  }
0x7c: {  	v16 =	vld [tilespmem:$0x180C0];
	_ =	sdelay $0x4  }
0x7d: {  	[tilespmem:v12+s2+$0x0] =	vst.idx.msk $0xffff, v16  }
0x7e: {  	v16 =	vld [tilespmem:$0x180D0];
	_ =	sdelay $0x4  }
0x7f: {  	[tilespmem:v13+s2+$0x0] =	vst.idx.msk $0xffff, v16  }
0x80: {  	v16 =	vld [tilespmem:$0x180E0];
	_ =	sdelay $0x4  }
0x81: {  	[tilespmem:v14+s2+$0x0] =	vst.idx.msk $0xffff, v16  }
0x82: {  	v16 =	vld [tilespmem:$0x180F0];
	_ =	sdelay $0x4  }
0x83: {  	[tilespmem:v15+s2+$0x0] =	vst.idx.msk $0xffff, v16  }
0x84: {  	[hbm4b:s5+s2] =	stream.linear.scatter [tilespmem:s2], [sflag:$0x1], $0x18000, $0x38;
	[tilespmem:$0x18400] =	vst v63  }
0x85: {  	_ =	swait.ge [sflag:s11], $0x18000  }
0x86: {  	[sflag:s11] =	ssyncset.done $0x0  }
0x87: {  	[sflag:s11] =	ssyncadd.s32 $0xFFFE8000  }
0x88: {  	v16 =	vld [tilespmem:$0x18100];
	_ =	sdelay $0x4  }
0x89: {  	[tilespmem:v0+s2+$0x0] =	vst.idx.msk $0xffff, v16  }
0x8a: {  	v16 =	vld [tilespmem:$0x18110];
	_ =	sdelay $0x4  }
0x8b: {  	[tilespmem:v1+s2+$0x0] =	vst.idx.msk $0xffff, v16  }
0x8c: {  	v16 =	vld [tilespmem:$0x18120];
	_ =	sdelay $0x4  }
0x8d: {  	[tilespmem:v2+s2+$0x0] =	vst.idx.msk $0xffff, v16  }
0x8e: {  	v16 =	vld [tilespmem:$0x18130];
	_ =	sdelay $0x4  }
0x8f: {  	[tilespmem:v3+s2+$0x0] =	vst.idx.msk $0xffff, v16  }
0x90: {  	v16 =	vld [tilespmem:$0x18140];
	_ =	sdelay $0x4  }
0x91: {  	[tilespmem:v4+s2+$0x0] =	vst.idx.msk $0xffff, v16  }
0x92: {  	v16 =	vld [tilespmem:$0x18150];
	_ =	sdelay $0x4  }
0x93: {  	[tilespmem:v5+s2+$0x0] =	vst.idx.msk $0xffff, v16  }
0x94: {  	v16 =	vld [tilespmem:$0x18160];
	_ =	sdelay $0x4  }
0x95: {  	[tilespmem:v6+s2+$0x0] =	vst.idx.msk $0xffff, v16  }
0x96: {  	v16 =	vld [tilespmem:$0x18170];
	_ =	sdelay $0x4  }
0x97: {  	[tilespmem:v7+s2+$0x0] =	vst.idx.msk $0xffff, v16  }
0x98: {  	v16 =	vld [tilespmem:$0x18180];
	_ =	sdelay $0x4  }
0x99: {  	[tilespmem:v8+s2+$0x0] =	vst.idx.msk $0xffff, v16  }
0x9a: {  	v16 =	vld [tilespmem:$0x18190];
	_ =	sdelay $0x4  }
0x9b: {  	[tilespmem:v9+s2+$0x0] =	vst.idx.msk $0xffff, v16  }
0x9c: {  	v16 =	vld [tilespmem:$0x181A0];
	_ =	sdelay $0x4  }
0x9d: {  	[tilespmem:v10+s2+$0x0] =	vst.idx.msk $0xffff, v16  }
0x9e: {  	v16 =	vld [tilespmem:$0x181B0];
	_ =	sdelay $0x4  }
0x9f: {  	[tilespmem:v11+s2+$0x0] =	vst.idx.msk $0xffff, v16  }
0xa0: {  	v16 =	vld [tilespmem:$0x181C0];
	_ =	sdelay $0x4  }
0xa1: {  	[tilespmem:v12+s2+$0x0] =	vst.idx.msk $0xffff, v16  }
0xa2: {  	v16 =	vld [tilespmem:$0x181D0];
	_ =	sdelay $0x4  }
0xa3: {  	[tilespmem:v13+s2+$0x0] =	vst.idx.msk $0xffff, v16  }
0xa4: {  	v16 =	vld [tilespmem:$0x181E0];
	_ =	sdelay $0x4  }
0xa5: {  	[tilespmem:v14+s2+$0x0] =	vst.idx.msk $0xffff, v16  }
0xa6: {  	v16 =	vld [tilespmem:$0x181F0];
	_ =	sdelay $0x4  }
0xa7: {  	[tilespmem:v15+s2+$0x0] =	vst.idx.msk $0xffff, v16  }
0xa8: {  	[hbm4b:s6+s2] =	stream.linear.scatter [tilespmem:s2], [sflag:$0x1], $0x18000, $0x38;
	[tilespmem:$0x18400] =	vst v63  }
0xa9: {  	_ =	swait.ge [sflag:s11], $0x18000  }
0xaa: {  	[sflag:s11] =	ssyncset.done $0x0  }
0xab: {  	[sflag:s11] =	ssyncadd.s32 $0xFFFE8000  }
0xac: {  	v16 =	vld [tilespmem:$0x18200];
	_ =	sdelay $0x4  }
0xad: {  	[tilespmem:v0+s2+$0x0] =	vst.idx.msk $0xffff, v16  }
0xae: {  	v16 =	vld [tilespmem:$0x18210];
	_ =	sdelay $0x4  }
0xaf: {  	[tilespmem:v1+s2+$0x0] =	vst.idx.msk $0xffff, v16  }
0xb0: {  	v16 =	vld [tilespmem:$0x18220];
	_ =	sdelay $0x4  }
0xb1: {  	[tilespmem:v2+s2+$0x0] =	vst.idx.msk $0xffff, v16  }
0xb2: {  	v16 =	vld [tilespmem:$0x18230];
	_ =	sdelay $0x4  }
0xb3: {  	[tilespmem:v3+s2+$0x0] =	vst.idx.msk $0xffff, v16  }
0xb4: {  	v16 =	vld [tilespmem:$0x18240];
	_ =	sdelay $0x4  }
0xb5: {  	[tilespmem:v4+s2+$0x0] =	vst.idx.msk $0xffff, v16  }
0xb6: {  	v16 =	vld [tilespmem:$0x18250];
	_ =	sdelay $0x4  }
0xb7: {  	[tilespmem:v5+s2+$0x0] =	vst.idx.msk $0xffff, v16  }
0xb8: {  	v16 =	vld [tilespmem:$0x18260];
	_ =	sdelay $0x4  }
0xb9: {  	[tilespmem:v6+s2+$0x0] =	vst.idx.msk $0xffff, v16  }
0xba: {  	v16 =	vld [tilespmem:$0x18270];
	_ =	sdelay $0x4  }
0xbb: {  	[tilespmem:v7+s2+$0x0] =	vst.idx.msk $0xffff, v16  }
0xbc: {  	v16 =	vld [tilespmem:$0x18280];
	_ =	sdelay $0x4  }
0xbd: {  	[tilespmem:v8+s2+$0x0] =	vst.idx.msk $0xffff, v16  }
0xbe: {  	v16 =	vld [tilespmem:$0x18290];
	_ =	sdelay $0x4  }
0xbf: {  	[tilespmem:v9+s2+$0x0] =	vst.idx.msk $0xffff, v16  }
0xc0: {  	v16 =	vld [tilespmem:$0x182A0];
	_ =	sdelay $0x4  }
0xc1: {  	[tilespmem:v10+s2+$0x0] =	vst.idx.msk $0xffff, v16  }
0xc2: {  	v16 =	vld [tilespmem:$0x182B0];
	_ =	sdelay $0x4  }
0xc3: {  	[tilespmem:v11+s2+$0x0] =	vst.idx.msk $0xffff, v16  }
0xc4: {  	v16 =	vld [tilespmem:$0x182C0];
	_ =	sdelay $0x4  }
0xc5: {  	[tilespmem:v12+s2+$0x0] =	vst.idx.msk $0xffff, v16  }
0xc6: {  	v16 =	vld [tilespmem:$0x182D0];
	_ =	sdelay $0x4  }
0xc7: {  	[tilespmem:v13+s2+$0x0] =	vst.idx.msk $0xffff, v16  }
0xc8: {  	v16 =	vld [tilespmem:$0x182E0];
	_ =	sdelay $0x4  }
0xc9: {  	[tilespmem:v14+s2+$0x0] =	vst.idx.msk $0xffff, v16  }
0xca: {  	v16 =	vld [tilespmem:$0x182F0];
	_ =	sdelay $0x4  }
0xcb: {  	[tilespmem:v15+s2+$0x0] =	vst.idx.msk $0xffff, v16  }
0xcc: {  	[hbm4b:s7+s2] =	stream.linear.scatter [tilespmem:s2], [sflag:$0x1], $0x18000, $0x38;
	[tilespmem:$0x18400] =	vst v63  }
0xcd: {  	_ =	swait.ge [sflag:s11], $0x18000  }
0xce: {  	[sflag:s11] =	ssyncset.done $0x0  }
0xcf: {  	[sflag:s11] =	ssyncadd.s32 $0xFFFE8000  }
0xd0: {  	v16 =	vld [tilespmem:$0x18300];
	_ =	sdelay $0x4  }
0xd1: {  	[tilespmem:v0+s2+$0x0] =	vst.idx.msk $0xffff, v16  }
0xd2: {  	v16 =	vld [tilespmem:$0x18310];
	_ =	sdelay $0x4  }
0xd3: {  	[tilespmem:v1+s2+$0x0] =	vst.idx.msk $0xffff, v16  }
0xd4: {  	v16 =	vld [tilespmem:$0x18320];
	_ =	sdelay $0x4  }
0xd5: {  	[tilespmem:v2+s2+$0x0] =	vst.idx.msk $0xffff, v16  }
0xd6: {  	v16 =	vld [tilespmem:$0x18330];
	_ =	sdelay $0x4  }
0xd7: {  	[tilespmem:v3+s2+$0x0] =	vst.idx.msk $0xffff, v16  }
0xd8: {  	v16 =	vld [tilespmem:$0x18340];
	_ =	sdelay $0x4  }
0xd9: {  	[tilespmem:v4+s2+$0x0] =	vst.idx.msk $0xffff, v16  }
0xda: {  	v16 =	vld [tilespmem:$0x18350];
	_ =	sdelay $0x4  }
0xdb: {  	[tilespmem:v5+s2+$0x0] =	vst.idx.msk $0xffff, v16  }
0xdc: {  	v16 =	vld [tilespmem:$0x18360];
	_ =	sdelay $0x4  }
0xdd: {  	[tilespmem:v6+s2+$0x0] =	vst.idx.msk $0xffff, v16  }
0xde: {  	v16 =	vld [tilespmem:$0x18370];
	_ =	sdelay $0x4  }
0xdf: {  	[tilespmem:v7+s2+$0x0] =	vst.idx.msk $0xffff, v16  }
0xe0: {  	v16 =	vld [tilespmem:$0x18380];
	_ =	sdelay $0x4  }
0xe1: {  	[tilespmem:v8+s2+$0x0] =	vst.idx.msk $0xffff, v16  }
0xe2: {  	v16 =	vld [tilespmem:$0x18390];
	_ =	sdelay $0x4  }
0xe3: {  	[tilespmem:v9+s2+$0x0] =	vst.idx.msk $0xffff, v16  }
0xe4: {  	v16 =	vld [tilespmem:$0x183A0];
	_ =	sdelay $0x4  }
0xe5: {  	[tilespmem:v10+s2+$0x0] =	vst.idx.msk $0xffff, v16  }
0xe6: {  	v16 =	vld [tilespmem:$0x183B0];
	_ =	sdelay $0x4  }
0xe7: {  	[tilespmem:v11+s2+$0x0] =	vst.idx.msk $0xffff, v16  }
0xe8: {  	v16 =	vld [tilespmem:$0x183C0];
	_ =	sdelay $0x4  }
0xe9: {  	[tilespmem:v12+s2+$0x0] =	vst.idx.msk $0xffff, v16  }
0xea: {  	v16 =	vld [tilespmem:$0x183D0];
	_ =	sdelay $0x4  }
0xeb: {  	[tilespmem:v13+s2+$0x0] =	vst.idx.msk $0xffff, v16  }
0xec: {  	v16 =	vld [tilespmem:$0x183E0];
	_ =	sdelay $0x4  }
0xed: {  	[tilespmem:v14+s2+$0x0] =	vst.idx.msk $0xffff, v16  }
0xee: {  	v16 =	vld [tilespmem:$0x183F0];
	_ =	sdelay $0x3  }
0xef: {  	p0 =	sne.s32 s9, $0x1  }
.Ltmp0:
0xf0: {  	[tilespmem:v15+s2+$0x0] =	vst.idx.msk $0xffff, v16;
	(pc) =	sbr.rel @p0 .LBB2_1-.Ltmp0, $4  }
0xf1: {  	[hbm4b:s8+s2] =	stream.linear.scatter [tilespmem:s2], [sflag:$0x1], $0x18000, $0x38;
	[tilespmem:$0x18400] =	vst v63  }
0xf2: {  	_ =	swait.ge [sflag:s11], $0x18000  }
0xf3: {  	[sflag:s11] =	ssyncset.done $0x0  }
0xf4: {  	s9 =	sadd.s32 $0xFFFFFFFF, s9;
	[sflag:s11] =	ssyncadd.s32 $0xFFFE8000  }
0xf5: {  	_ =	sfence.sel $0x180000  }
0xf6: {  	[bflag:$0x0] =	sbarrier.arrive $0xFFFF  }
0xf7: {  	p0 =	sne.s32 s1, $0x0;
	_ =	strace $0x90000047  }
0xf8: {  	s0 =	sadd.s32 @!p0 $0x100000, s0;
	[bflag:$0x2] =	sbarrier.arrive $0xFFFF  }
0xf9: {  	[sflag:s0] =	ssyncadd.tile.s32 @!p0 $0x1;
	_ =	shalt  }
.Lfunc_end2:
_tile_overlayer_lowered:
.L_overlay_start_2:
0xfa: {  	(tag) =	ssettag $0x2  }
0xfb: {  	s0 =	rddreg [dreg:$0x0];
	s2 =	stileid.u32  }
0xfc: {  	s1 =	rddreg [dreg:$0x1];
	p0 =	sne.s32 s2, $0x0  }
0xfd: {  	s3 =	rddreg [dreg:$0x2];
	[bflag:$0x3] =	sbarrier.arrive $0xFFFF;
	s2 =	simm.s32 @!p0 $0x1C01  }
0xfe: {  	[timem:s3], [sflag:s2] =	dma.local @!p0 [hbm:s0], s1  }
0xff: {  	s0 =	simm.s32 @!p0 $0x1  }
0x100: {  	_ =	swait.ge @!p0 [sflag:s0], s1  }
0x101: {  	s1 =	ssub.s32 @!p0 $0x0, s1;
	[sflag:s0] =	ssyncset.done @!p0 $0x0  }
0x102: {  	[sflag:s0] =	ssyncadd.s32 @!p0 s1  }
0x103: {  	[bflag:$0x3] =	sbarrier.arrive $0xFFFF  }
0x104: {  	_ =	shalt  }

</sc_bundles>
